<compile_context>
chip_gen: v7x
topology: tpu7x:2x2x1
jax: 0.10.2.dev20260603
libtpu: 0.0.44.dev20260713+nightly
codegen_flags: <defaults>
</compile_context>

<pallas_src>
import functools

import jax
import jax.numpy as jnp
from jax import lax
from jax.experimental import pallas as pl
from jax.experimental.pallas import tpu as pltpu
from jax.experimental.pallas import tpu_sc as plsc

VOCAB = 1000000
DIM = 64
SEQ = 200
BATCH = 4096

NC = 2
NS = 16
NW = NC * NS
G = BATCH // NW
K = 4
TOTAL = SEQ // K

_mesh = plsc.VectorSubcoreMesh(core_axis_name="c", subcore_axis_name="s")


@functools.partial(
    pl.kernel,
    mesh=_mesh,
    out_type=jax.ShapeDtypeStruct((SEQ, BATCH, DIM), jnp.float32),
    scratch_types=[
        pltpu.VMEM((SEQ, G), jnp.int32),
        pltpu.VMEM((K, G, DIM), jnp.float32),
        pltpu.VMEM((K, G, DIM), jnp.float32),
        pltpu.SemaphoreType.DMA,
        pltpu.SemaphoreType.DMA,
        pltpu.SemaphoreType.DMA,
        pltpu.SemaphoreType.DMA,
    ],
    compiler_params=pltpu.CompilerParams(
        use_tc_tiling_on_sc=False, needs_layout_passes=False
    ),
)
def _sc_gather(table_hbm, idx_hbm, out_hbm, idx_v, rows0, rows1,
               gsem0, gsem1, wsem0, wsem1):
    wid = lax.axis_index("s") * NC + lax.axis_index("c")
    wb = wid * G
    pltpu.sync_copy(idx_hbm.at[:, pl.ds(wb, G)], idx_v)

    rows = (rows0, rows1)
    gsems = (gsem0, gsem1)
    wsems = (wsem0, wsem1)

    def fire(t, p):
        for k in range(K):
            pltpu.async_copy(
                table_hbm.at[idx_v.at[t * K + k]],
                rows[p].at[k],
                gsems[p],
            )

    def drain(p):
        for k in range(K):
            pltpu.make_async_copy(
                table_hbm.at[pl.ds(0, G)], rows[p].at[k], gsems[p]
            ).wait()

    def start_write(t, p):
        pltpu.async_copy(
            rows[p], out_hbm.at[pl.ds(t * K, K), pl.ds(wb, G), :], wsems[p]
        )

    def wait_write(p):
        pltpu.make_async_copy(
            rows[p], out_hbm.at[pl.ds(0, K), pl.ds(wb, G), :], wsems[p]
        ).wait()

    def step(t, p, fire_ahead):
        drain(p)
        start_write(t, p)
        if fire_ahead:
            wait_write(p)
            fire(t + 2, p)

    fire(0, 0)
    fire(1, 1)
    step(0, 0, True)
    step(1, 1, True)

    def body(c, carry):
        t0 = 2 * c
        step(t0, 0, True)
        step(t0 + 1, 1, True)
        return carry

    lax.fori_loop(1, TOTAL // 2 - 1, body, 0)

    step(TOTAL - 2, 0, False)
    step(TOTAL - 1, 1, False)
    wait_write(0)
    wait_write(1)


def kernel(src_input, word_lut):
    idx = src_input.reshape(SEQ, BATCH)
    return _sc_gather(word_lut, idx)

# --- scband reference (transcript-rebuilt; emitter-appended) ---
"""Pipeline reference for scband-embeddings-13907104105163 (READ-ONLY COPY).

The authoritative reference and input builder live on the scoring server;
editing this copy changes nothing except your own understanding.
"""

import jax, jax.numpy as jnp
import numpy as np

VOCAB = 1000000
DIM = 64
SEQ = 200
BATCH = 4096
PAD = 0


def setup_inputs(seed: int = 0) -> dict:
    key = jax.random.key(seed)
    k1, k2 = jax.random.split(key)
    src_input = jax.random.randint(k1, (SEQ, BATCH, 1), 0, VOCAB, dtype=jnp.int32)
    word_lut = jax.random.normal(k2, (VOCAB, DIM), dtype=jnp.float32)
    # padding_idx row is fixed to zeros, matching nn.Embedding(padding_idx=PAD)
    word_lut = word_lut.at[PAD].set(0.0)
    return {"src_input": src_input, "word_lut": word_lut}


def reference(src_input, word_lut):
    # Embeddings.forward with feature_dicts=None and position_encoding=False:
    # emb = self.word_lut(src_input[:, :, 0])
    idx = src_input[:, :, 0]
    emb = jnp.take(word_lut, idx, axis=0)
    return emb

if __name__ == "__main__":
    import jax
    _d = setup_inputs()
    print(jax.jit(kernel)(*tuple(_d.values())))

</pallas_src>

<mosaic_0001>
#map = affine_map<(d0, d1) -> (0, 0)>
#map1 = affine_map<(d0, d1) -> (0, 0, 0)>
module attributes {stable_mosaic.version = 14 : i64} {
  func.func @_sc_gather(%arg0: i32, %arg1: i32, %arg2: memref<1000000x64xf32, #tpu.memory_space<hbm>>, %arg3: memref<200x4096xi32, #tpu.memory_space<hbm>>, %arg4: memref<200x4096x64xf32, #tpu.memory_space<hbm>>, %arg5: memref<200x128xi32, #tpu.memory_space<vmem>>, %arg6: memref<4x128x64xf32, #tpu.memory_space<vmem>>, %arg7: memref<4x128x64xf32, #tpu.memory_space<vmem>>, %arg8: memref<!tpu.dma_semaphore, #tpu.memory_space<semaphore_mem>>, %arg9: memref<!tpu.dma_semaphore, #tpu.memory_space<semaphore_mem>>, %arg10: memref<!tpu.dma_semaphore, #tpu.memory_space<semaphore_mem>>, %arg11: memref<!tpu.dma_semaphore, #tpu.memory_space<semaphore_mem>>) attributes {dimension_semantics = [#tpu.dimension_semantics<core_parallel>, #tpu.dimension_semantics<subcore_parallel>], iteration_bounds = array<i64: 2, 16>, scalar_prefetch = 0 : i64, scratch_operands = 7 : i64, tpu.core_type = #tpu.core_type<sc_vector_subcore>, window_params = [{transform_indices = #map}, {transform_indices = #map}, {transform_indices = #map1}]} {
    %mul3A = arith.constant 2 : i32
    %mul3A_0 = arith.muli %arg1, %mul3A : i32
    %add3A = arith.addi %mul3A_0, %arg0 : i32
    %mul3A_1 = arith.constant 128 : i32
    %mul3A_2 = arith.muli %add3A, %mul3A_1 : i32
    "tpu.region"() ({
      %run_scoped3A = tpu.sem_alloc : memref<!tpu.dma_semaphore, #tpu.memory_space<semaphore_mem>>
      %dma_start3A_486 = arith.constant 0 : i32
      %dma_start3A_487 = tpu.memref_slice %arg3[%dma_start3A_486, %mul3A_2] : memref<200x4096xi32, #tpu.memory_space<hbm>> -> memref<200x128xi32, #tpu.memory_space<hbm>>
      %dma_start3A_488 = arith.constant 0 : i32
      %dma_start3A_489 = tpu.memref_slice %arg3[%dma_start3A_488, %mul3A_2] : memref<200x4096xi32, #tpu.memory_space<hbm>> -> memref<200x128xi32, #tpu.memory_space<hbm>>
      tpu.enqueue_dma source(%dma_start3A_489 : memref<200x128xi32, #tpu.memory_space<hbm>>) target(%arg5 : memref<200x128xi32, #tpu.memory_space<vmem>>) target_semaphore(%run_scoped3A : memref<!tpu.dma_semaphore, #tpu.memory_space<semaphore_mem>>)
      %dma_wait3A_490 = arith.constant 0 : i32
      %dma_wait3A_491 = tpu.memref_slice %arg3[%dma_wait3A_490, %mul3A_2] : memref<200x4096xi32, #tpu.memory_space<hbm>> -> memref<200x128xi32, #tpu.memory_space<hbm>>
      %dma_wait3A_492 = arith.constant 0 : i32
      %dma_wait3A_493 = tpu.memref_slice %arg3[%dma_wait3A_492, %mul3A_2] : memref<200x4096xi32, #tpu.memory_space<hbm>> -> memref<200x128xi32, #tpu.memory_space<hbm>>
      tpu.wait_dma2 semaphore(%run_scoped3A : memref<!tpu.dma_semaphore, #tpu.memory_space<semaphore_mem>>) src(%dma_wait3A_493 : memref<200x128xi32, #tpu.memory_space<hbm>>) dst(%arg5 : memref<200x128xi32, #tpu.memory_space<vmem>>)
      tpu.yield
    }) : () -> ()
    %dma_start3A = arith.constant 0 : i32
    %dma_start3A_3 = arith.constant 0 : i32
    %dma_start3A_4 = arith.constant 0 : i32
    %dma_start3A_5 = arith.constant 0 : i32
    %dma_start3A_6 = tpu.memref_slice %arg6[%dma_start3A_3, %dma_start3A_4, %dma_start3A_5] : memref<4x128x64xf32, #tpu.memory_space<vmem>> -> memref<1x128x64xf32, #tpu.memory_space<vmem>>
    %dma_start3A_7 = tpu.memref_squeeze %dma_start3A_6 : memref<1x128x64xf32, #tpu.memory_space<vmem>> -> memref<128x64xf32, #tpu.memory_space<vmem>>
    %dma_start3A_8 = arith.constant 0 : i32
    %dma_start3A_9 = tpu.memref_slice %arg5[%dma_start3A, %dma_start3A_8] : memref<200x128xi32, #tpu.memory_space<vmem>> -> memref<1x128xi32, #tpu.memory_space<vmem>>
    %dma_start3A_10 = tpu.memref_squeeze %dma_start3A_9 : memref<1x128xi32, #tpu.memory_space<vmem>> -> memref<128xi32, #tpu.memory_space<vmem>>
    %dma_start3A_11 = arith.constant 0 : i32
    %dma_start3A_12 = arith.constant 0 : i32
    %dma_start3A_13 = tpu.memref_slice %arg2[%dma_start3A_11, %dma_start3A_12] : memref<1000000x64xf32, #tpu.memory_space<hbm>> -> memref<1000000x64xf32, #tpu.memory_space<hbm>>
    tpu.enqueue_indirect_dma source(%dma_start3A_13 : memref<1000000x64xf32, #tpu.memory_space<hbm>>) target(%dma_start3A_7 : memref<128x64xf32, #tpu.memory_space<vmem>>) offsets(%dma_start3A_10 : memref<128xi32, #tpu.memory_space<vmem>>) semaphore(%arg8 : memref<!tpu.dma_semaphore, #tpu.memory_space<semaphore_mem>>)
    %dma_start3A_14 = arith.constant 1 : i32
    %dma_start3A_15 = arith.constant 1 : i32
    %dma_start3A_16 = arith.constant 0 : i32
    %dma_start3A_17 = arith.constant 0 : i32
    %dma_start3A_18 = tpu.memref_slice %arg6[%dma_start3A_15, %dma_start3A_16, %dma_start3A_17] : memref<4x128x64xf32, #tpu.memory_space<vmem>> -> memref<1x128x64xf32, #tpu.memory_space<vmem>>
    %dma_start3A_19 = tpu.memref_squeeze %dma_start3A_18 : memref<1x128x64xf32, #tpu.memory_space<vmem>> -> memref<128x64xf32, #tpu.memory_space<vmem>>
    %dma_start3A_20 = arith.constant 0 : i32
    %dma_start3A_21 = tpu.memref_slice %arg5[%dma_start3A_14, %dma_start3A_20] : memref<200x128xi32, #tpu.memory_space<vmem>> -> memref<1x128xi32, #tpu.memory_space<vmem>>
    %dma_start3A_22 = tpu.memref_squeeze %dma_start3A_21 : memref<1x128xi32, #tpu.memory_space<vmem>> -> memref<128xi32, #tpu.memory_space<vmem>>
    %dma_start3A_23 = arith.constant 0 : i32
    %dma_start3A_24 = arith.constant 0 : i32
    %dma_start3A_25 = tpu.memref_slice %arg2[%dma_start3A_23, %dma_start3A_24] : memref<1000000x64xf32, #tpu.memory_space<hbm>> -> memref<1000000x64xf32, #tpu.memory_space<hbm>>
    tpu.enqueue_indirect_dma source(%dma_start3A_25 : memref<1000000x64xf32, #tpu.memory_space<hbm>>) target(%dma_start3A_19 : memref<128x64xf32, #tpu.memory_space<vmem>>) offsets(%dma_start3A_22 : memref<128xi32, #tpu.memory_space<vmem>>) semaphore(%arg8 : memref<!tpu.dma_semaphore, #tpu.memory_space<semaphore_mem>>)
    %dma_start3A_26 = arith.constant 2 : i32
    %dma_start3A_27 = arith.constant 2 : i32
    %dma_start3A_28 = arith.constant 0 : i32
    %dma_start3A_29 = arith.constant 0 : i32
    %dma_start3A_30 = tpu.memref_slice %arg6[%dma_start3A_27, %dma_start3A_28, %dma_start3A_29] : memref<4x128x64xf32, #tpu.memory_space<vmem>> -> memref<1x128x64xf32, #tpu.memory_space<vmem>>
    %dma_start3A_31 = tpu.memref_squeeze %dma_start3A_30 : memref<1x128x64xf32, #tpu.memory_space<vmem>> -> memref<128x64xf32, #tpu.memory_space<vmem>>
    %dma_start3A_32 = arith.constant 0 : i32
    %dma_start3A_33 = tpu.memref_slice %arg5[%dma_start3A_26, %dma_start3A_32] : memref<200x128xi32, #tpu.memory_space<vmem>> -> memref<1x128xi32, #tpu.memory_space<vmem>>
    %dma_start3A_34 = tpu.memref_squeeze %dma_start3A_33 : memref<1x128xi32, #tpu.memory_space<vmem>> -> memref<128xi32, #tpu.memory_space<vmem>>
    %dma_start3A_35 = arith.constant 0 : i32
    %dma_start3A_36 = arith.constant 0 : i32
    %dma_start3A_37 = tpu.memref_slice %arg2[%dma_start3A_35, %dma_start3A_36] : memref<1000000x64xf32, #tpu.memory_space<hbm>> -> memref<1000000x64xf32, #tpu.memory_space<hbm>>
    tpu.enqueue_indirect_dma source(%dma_start3A_37 : memref<1000000x64xf32, #tpu.memory_space<hbm>>) target(%dma_start3A_31 : memref<128x64xf32, #tpu.memory_space<vmem>>) offsets(%dma_start3A_34 : memref<128xi32, #tpu.memory_space<vmem>>) semaphore(%arg8 : memref<!tpu.dma_semaphore, #tpu.memory_space<semaphore_mem>>)
    %dma_start3A_38 = arith.constant 3 : i32
    %dma_start3A_39 = arith.constant 3 : i32
    %dma_start3A_40 = arith.constant 0 : i32
    %dma_start3A_41 = arith.constant 0 : i32
    %dma_start3A_42 = tpu.memref_slice %arg6[%dma_start3A_39, %dma_start3A_40, %dma_start3A_41] : memref<4x128x64xf32, #tpu.memory_space<vmem>> -> memref<1x128x64xf32, #tpu.memory_space<vmem>>
    %dma_start3A_43 = tpu.memref_squeeze %dma_start3A_42 : memref<1x128x64xf32, #tpu.memory_space<vmem>> -> memref<128x64xf32, #tpu.memory_space<vmem>>
    %dma_start3A_44 = arith.constant 0 : i32
    %dma_start3A_45 = tpu.memref_slice %arg5[%dma_start3A_38, %dma_start3A_44] : memref<200x128xi32, #tpu.memory_space<vmem>> -> memref<1x128xi32, #tpu.memory_space<vmem>>
    %dma_start3A_46 = tpu.memref_squeeze %dma_start3A_45 : memref<1x128xi32, #tpu.memory_space<vmem>> -> memref<128xi32, #tpu.memory_space<vmem>>
    %dma_start3A_47 = arith.constant 0 : i32
    %dma_start3A_48 = arith.constant 0 : i32
    %dma_start3A_49 = tpu.memref_slice %arg2[%dma_start3A_47, %dma_start3A_48] : memref<1000000x64xf32, #tpu.memory_space<hbm>> -> memref<1000000x64xf32, #tpu.memory_space<hbm>>
    tpu.enqueue_indirect_dma source(%dma_start3A_49 : memref<1000000x64xf32, #tpu.memory_space<hbm>>) target(%dma_start3A_43 : memref<128x64xf32, #tpu.memory_space<vmem>>) offsets(%dma_start3A_46 : memref<128xi32, #tpu.memory_space<vmem>>) semaphore(%arg8 : memref<!tpu.dma_semaphore, #tpu.memory_space<semaphore_mem>>)
    %dma_start3A_50 = arith.constant 4 : i32
    %dma_start3A_51 = arith.constant 0 : i32
    %dma_start3A_52 = arith.constant 0 : i32
    %dma_start3A_53 = arith.constant 0 : i32
    %dma_start3A_54 = tpu.memref_slice %arg7[%dma_start3A_51, %dma_start3A_52, %dma_start3A_53] : memref<4x128x64xf32, #tpu.memory_space<vmem>> -> memref<1x128x64xf32, #tpu.memory_space<vmem>>
    %dma_start3A_55 = tpu.memref_squeeze %dma_start3A_54 : memref<1x128x64xf32, #tpu.memory_space<vmem>> -> memref<128x64xf32, #tpu.memory_space<vmem>>
    %dma_start3A_56 = arith.constant 0 : i32
    %dma_start3A_57 = tpu.memref_slice %arg5[%dma_start3A_50, %dma_start3A_56] : memref<200x128xi32, #tpu.memory_space<vmem>> -> memref<1x128xi32, #tpu.memory_space<vmem>>
    %dma_start3A_58 = tpu.memref_squeeze %dma_start3A_57 : memref<1x128xi32, #tpu.memory_space<vmem>> -> memref<128xi32, #tpu.memory_space<vmem>>
    %dma_start3A_59 = arith.constant 0 : i32
    %dma_start3A_60 = arith.constant 0 : i32
    %dma_start3A_61 = tpu.memref_slice %arg2[%dma_start3A_59, %dma_start3A_60] : memref<1000000x64xf32, #tpu.memory_space<hbm>> -> memref<1000000x64xf32, #tpu.memory_space<hbm>>
    tpu.enqueue_indirect_dma source(%dma_start3A_61 : memref<1000000x64xf32, #tpu.memory_space<hbm>>) target(%dma_start3A_55 : memref<128x64xf32, #tpu.memory_space<vmem>>) offsets(%dma_start3A_58 : memref<128xi32, #tpu.memory_space<vmem>>) semaphore(%arg9 : memref<!tpu.dma_semaphore, #tpu.memory_space<semaphore_mem>>)
    %dma_start3A_62 = arith.constant 5 : i32
    %dma_start3A_63 = arith.constant 1 : i32
    %dma_start3A_64 = arith.constant 0 : i32
    %dma_start3A_65 = arith.constant 0 : i32
    %dma_start3A_66 = tpu.memref_slice %arg7[%dma_start3A_63, %dma_start3A_64, %dma_start3A_65] : memref<4x128x64xf32, #tpu.memory_space<vmem>> -> memref<1x128x64xf32, #tpu.memory_space<vmem>>
    %dma_start3A_67 = tpu.memref_squeeze %dma_start3A_66 : memref<1x128x64xf32, #tpu.memory_space<vmem>> -> memref<128x64xf32, #tpu.memory_space<vmem>>
    %dma_start3A_68 = arith.constant 0 : i32
    %dma_start3A_69 = tpu.memref_slice %arg5[%dma_start3A_62, %dma_start3A_68] : memref<200x128xi32, #tpu.memory_space<vmem>> -> memref<1x128xi32, #tpu.memory_space<vmem>>
    %dma_start3A_70 = tpu.memref_squeeze %dma_start3A_69 : memref<1x128xi32, #tpu.memory_space<vmem>> -> memref<128xi32, #tpu.memory_space<vmem>>
    %dma_start3A_71 = arith.constant 0 : i32
    %dma_start3A_72 = arith.constant 0 : i32
    %dma_start3A_73 = tpu.memref_slice %arg2[%dma_start3A_71, %dma_start3A_72] : memref<1000000x64xf32, #tpu.memory_space<hbm>> -> memref<1000000x64xf32, #tpu.memory_space<hbm>>
    tpu.enqueue_indirect_dma source(%dma_start3A_73 : memref<1000000x64xf32, #tpu.memory_space<hbm>>) target(%dma_start3A_67 : memref<128x64xf32, #tpu.memory_space<vmem>>) offsets(%dma_start3A_70 : memref<128xi32, #tpu.memory_space<vmem>>) semaphore(%arg9 : memref<!tpu.dma_semaphore, #tpu.memory_space<semaphore_mem>>)
    %dma_start3A_74 = arith.constant 6 : i32
    %dma_start3A_75 = arith.constant 2 : i32
    %dma_start3A_76 = arith.constant 0 : i32
    %dma_start3A_77 = arith.constant 0 : i32
    %dma_start3A_78 = tpu.memref_slice %arg7[%dma_start3A_75, %dma_start3A_76, %dma_start3A_77] : memref<4x128x64xf32, #tpu.memory_space<vmem>> -> memref<1x128x64xf32, #tpu.memory_space<vmem>>
    %dma_start3A_79 = tpu.memref_squeeze %dma_start3A_78 : memref<1x128x64xf32, #tpu.memory_space<vmem>> -> memref<128x64xf32, #tpu.memory_space<vmem>>
    %dma_start3A_80 = arith.constant 0 : i32
    %dma_start3A_81 = tpu.memref_slice %arg5[%dma_start3A_74, %dma_start3A_80] : memref<200x128xi32, #tpu.memory_space<vmem>> -> memref<1x128xi32, #tpu.memory_space<vmem>>
    %dma_start3A_82 = tpu.memref_squeeze %dma_start3A_81 : memref<1x128xi32, #tpu.memory_space<vmem>> -> memref<128xi32, #tpu.memory_space<vmem>>
    %dma_start3A_83 = arith.constant 0 : i32
    %dma_start3A_84 = arith.constant 0 : i32
    %dma_start3A_85 = tpu.memref_slice %arg2[%dma_start3A_83, %dma_start3A_84] : memref<1000000x64xf32, #tpu.memory_space<hbm>> -> memref<1000000x64xf32, #tpu.memory_space<hbm>>
    tpu.enqueue_indirect_dma source(%dma_start3A_85 : memref<1000000x64xf32, #tpu.memory_space<hbm>>) target(%dma_start3A_79 : memref<128x64xf32, #tpu.memory_space<vmem>>) offsets(%dma_start3A_82 : memref<128xi32, #tpu.memory_space<vmem>>) semaphore(%arg9 : memref<!tpu.dma_semaphore, #tpu.memory_space<semaphore_mem>>)
    %dma_start3A_86 = arith.constant 7 : i32
    %dma_start3A_87 = arith.constant 3 : i32
    %dma_start3A_88 = arith.constant 0 : i32
    %dma_start3A_89 = arith.constant 0 : i32
    %dma_start3A_90 = tpu.memref_slice %arg7[%dma_start3A_87, %dma_start3A_88, %dma_start3A_89] : memref<4x128x64xf32, #tpu.memory_space<vmem>> -> memref<1x128x64xf32, #tpu.memory_space<vmem>>
    %dma_start3A_91 = tpu.memref_squeeze %dma_start3A_90 : memref<1x128x64xf32, #tpu.memory_space<vmem>> -> memref<128x64xf32, #tpu.memory_space<vmem>>
    %dma_start3A_92 = arith.constant 0 : i32
    %dma_start3A_93 = tpu.memref_slice %arg5[%dma_start3A_86, %dma_start3A_92] : memref<200x128xi32, #tpu.memory_space<vmem>> -> memref<1x128xi32, #tpu.memory_space<vmem>>
    %dma_start3A_94 = tpu.memref_squeeze %dma_start3A_93 : memref<1x128xi32, #tpu.memory_space<vmem>> -> memref<128xi32, #tpu.memory_space<vmem>>
    %dma_start3A_95 = arith.constant 0 : i32
    %dma_start3A_96 = arith.constant 0 : i32
    %dma_start3A_97 = tpu.memref_slice %arg2[%dma_start3A_95, %dma_start3A_96] : memref<1000000x64xf32, #tpu.memory_space<hbm>> -> memref<1000000x64xf32, #tpu.memory_space<hbm>>
    tpu.enqueue_indirect_dma source(%dma_start3A_97 : memref<1000000x64xf32, #tpu.memory_space<hbm>>) target(%dma_start3A_91 : memref<128x64xf32, #tpu.memory_space<vmem>>) offsets(%dma_start3A_94 : memref<128xi32, #tpu.memory_space<vmem>>) semaphore(%arg9 : memref<!tpu.dma_semaphore, #tpu.memory_space<semaphore_mem>>)
    %dma_wait3A = arith.constant 0 : i32
    %dma_wait3A_98 = arith.constant 0 : i32
    %dma_wait3A_99 = arith.constant 0 : i32
    %dma_wait3A_100 = tpu.memref_slice %arg6[%dma_wait3A, %dma_wait3A_98, %dma_wait3A_99] : memref<4x128x64xf32, #tpu.memory_space<vmem>> -> memref<1x128x64xf32, #tpu.memory_space<vmem>>
    %dma_wait3A_101 = tpu.memref_squeeze %dma_wait3A_100 : memref<1x128x64xf32, #tpu.memory_space<vmem>> -> memref<128x64xf32, #tpu.memory_space<vmem>>
    %dma_wait3A_102 = arith.constant 0 : i32
    %dma_wait3A_103 = arith.constant 0 : i32
    %dma_wait3A_104 = tpu.memref_slice %arg2[%dma_wait3A_102, %dma_wait3A_103] : memref<1000000x64xf32, #tpu.memory_space<hbm>> -> memref<128x64xf32, #tpu.memory_space<hbm>>
    %dma_wait3A_105 = arith.constant 0 : i32
    %dma_wait3A_106 = arith.constant 0 : i32
    %dma_wait3A_107 = tpu.memref_slice %arg6[%dma_wait3A, %dma_wait3A_105, %dma_wait3A_106] : memref<4x128x64xf32, #tpu.memory_space<vmem>> -> memref<1x128x64xf32, #tpu.memory_space<vmem>>
    %dma_wait3A_108 = tpu.memref_squeeze %dma_wait3A_107 : memref<1x128x64xf32, #tpu.memory_space<vmem>> -> memref<128x64xf32, #tpu.memory_space<vmem>>
    %dma_wait3A_109 = arith.constant 0 : i32
    %dma_wait3A_110 = arith.constant 0 : i32
    %dma_wait3A_111 = tpu.memref_slice %arg2[%dma_wait3A_109, %dma_wait3A_110] : memref<1000000x64xf32, #tpu.memory_space<hbm>> -> memref<128x64xf32, #tpu.memory_space<hbm>>
    tpu.wait_dma2 semaphore(%arg8 : memref<!tpu.dma_semaphore, #tpu.memory_space<semaphore_mem>>) src(%dma_wait3A_111 : memref<128x64xf32, #tpu.memory_space<hbm>>) dst(%dma_wait3A_108 : memref<128x64xf32, #tpu.memory_space<vmem>>)
    %dma_wait3A_112 = arith.constant 1 : i32
    %dma_wait3A_113 = arith.constant 0 : i32
    %dma_wait3A_114 = arith.constant 0 : i32
    %dma_wait3A_115 = tpu.memref_slice %arg6[%dma_wait3A_112, %dma_wait3A_113, %dma_wait3A_114] : memref<4x128x64xf32, #tpu.memory_space<vmem>> -> memref<1x128x64xf32, #tpu.memory_space<vmem>>
    %dma_wait3A_116 = tpu.memref_squeeze %dma_wait3A_115 : memref<1x128x64xf32, #tpu.memory_space<vmem>> -> memref<128x64xf32, #tpu.memory_space<vmem>>
    %dma_wait3A_117 = arith.constant 0 : i32
    %dma_wait3A_118 = arith.constant 0 : i32
    %dma_wait3A_119 = tpu.memref_slice %arg2[%dma_wait3A_117, %dma_wait3A_118] : memref<1000000x64xf32, #tpu.memory_space<hbm>> -> memref<128x64xf32, #tpu.memory_space<hbm>>
    %dma_wait3A_120 = arith.constant 0 : i32
    %dma_wait3A_121 = arith.constant 0 : i32
    %dma_wait3A_122 = tpu.memref_slice %arg6[%dma_wait3A_112, %dma_wait3A_120, %dma_wait3A_121] : memref<4x128x64xf32, #tpu.memory_space<vmem>> -> memref<1x128x64xf32, #tpu.memory_space<vmem>>
    %dma_wait3A_123 = tpu.memref_squeeze %dma_wait3A_122 : memref<1x128x64xf32, #tpu.memory_space<vmem>> -> memref<128x64xf32, #tpu.memory_space<vmem>>
    %dma_wait3A_124 = arith.constant 0 : i32
    %dma_wait3A_125 = arith.constant 0 : i32
    %dma_wait3A_126 = tpu.memref_slice %arg2[%dma_wait3A_124, %dma_wait3A_125] : memref<1000000x64xf32, #tpu.memory_space<hbm>> -> memref<128x64xf32, #tpu.memory_space<hbm>>
    tpu.wait_dma2 semaphore(%arg8 : memref<!tpu.dma_semaphore, #tpu.memory_space<semaphore_mem>>) src(%dma_wait3A_126 : memref<128x64xf32, #tpu.memory_space<hbm>>) dst(%dma_wait3A_123 : memref<128x64xf32, #tpu.memory_space<vmem>>)
    %dma_wait3A_127 = arith.constant 2 : i32
    %dma_wait3A_128 = arith.constant 0 : i32
    %dma_wait3A_129 = arith.constant 0 : i32
    %dma_wait3A_130 = tpu.memref_slice %arg6[%dma_wait3A_127, %dma_wait3A_128, %dma_wait3A_129] : memref<4x128x64xf32, #tpu.memory_space<vmem>> -> memref<1x128x64xf32, #tpu.memory_space<vmem>>
    %dma_wait3A_131 = tpu.memref_squeeze %dma_wait3A_130 : memref<1x128x64xf32, #tpu.memory_space<vmem>> -> memref<128x64xf32, #tpu.memory_space<vmem>>
    %dma_wait3A_132 = arith.constant 0 : i32
    %dma_wait3A_133 = arith.constant 0 : i32
    %dma_wait3A_134 = tpu.memref_slice %arg2[%dma_wait3A_132, %dma_wait3A_133] : memref<1000000x64xf32, #tpu.memory_space<hbm>> -> memref<128x64xf32, #tpu.memory_space<hbm>>
    %dma_wait3A_135 = arith.constant 0 : i32
    %dma_wait3A_136 = arith.constant 0 : i32
    %dma_wait3A_137 = tpu.memref_slice %arg6[%dma_wait3A_127, %dma_wait3A_135, %dma_wait3A_136] : memref<4x128x64xf32, #tpu.memory_space<vmem>> -> memref<1x128x64xf32, #tpu.memory_space<vmem>>
    %dma_wait3A_138 = tpu.memref_squeeze %dma_wait3A_137 : memref<1x128x64xf32, #tpu.memory_space<vmem>> -> memref<128x64xf32, #tpu.memory_space<vmem>>
    %dma_wait3A_139 = arith.constant 0 : i32
    %dma_wait3A_140 = arith.constant 0 : i32
    %dma_wait3A_141 = tpu.memref_slice %arg2[%dma_wait3A_139, %dma_wait3A_140] : memref<1000000x64xf32, #tpu.memory_space<hbm>> -> memref<128x64xf32, #tpu.memory_space<hbm>>
    tpu.wait_dma2 semaphore(%arg8 : memref<!tpu.dma_semaphore, #tpu.memory_space<semaphore_mem>>) src(%dma_wait3A_141 : memref<128x64xf32, #tpu.memory_space<hbm>>) dst(%dma_wait3A_138 : memref<128x64xf32, #tpu.memory_space<vmem>>)
    %dma_wait3A_142 = arith.constant 3 : i32
    %dma_wait3A_143 = arith.constant 0 : i32
    %dma_wait3A_144 = arith.constant 0 : i32
    %dma_wait3A_145 = tpu.memref_slice %arg6[%dma_wait3A_142, %dma_wait3A_143, %dma_wait3A_144] : memref<4x128x64xf32, #tpu.memory_space<vmem>> -> memref<1x128x64xf32, #tpu.memory_space<vmem>>
    %dma_wait3A_146 = tpu.memref_squeeze %dma_wait3A_145 : memref<1x128x64xf32, #tpu.memory_space<vmem>> -> memref<128x64xf32, #tpu.memory_space<vmem>>
    %dma_wait3A_147 = arith.constant 0 : i32
    %dma_wait3A_148 = arith.constant 0 : i32
    %dma_wait3A_149 = tpu.memref_slice %arg2[%dma_wait3A_147, %dma_wait3A_148] : memref<1000000x64xf32, #tpu.memory_space<hbm>> -> memref<128x64xf32, #tpu.memory_space<hbm>>
    %dma_wait3A_150 = arith.constant 0 : i32
    %dma_wait3A_151 = arith.constant 0 : i32
    %dma_wait3A_152 = tpu.memref_slice %arg6[%dma_wait3A_142, %dma_wait3A_150, %dma_wait3A_151] : memref<4x128x64xf32, #tpu.memory_space<vmem>> -> memref<1x128x64xf32, #tpu.memory_space<vmem>>
    %dma_wait3A_153 = tpu.memref_squeeze %dma_wait3A_152 : memref<1x128x64xf32, #tpu.memory_space<vmem>> -> memref<128x64xf32, #tpu.memory_space<vmem>>
    %dma_wait3A_154 = arith.constant 0 : i32
    %dma_wait3A_155 = arith.constant 0 : i32
    %dma_wait3A_156 = tpu.memref_slice %arg2[%dma_wait3A_154, %dma_wait3A_155] : memref<1000000x64xf32, #tpu.memory_space<hbm>> -> memref<128x64xf32, #tpu.memory_space<hbm>>
    tpu.wait_dma2 semaphore(%arg8 : memref<!tpu.dma_semaphore, #tpu.memory_space<semaphore_mem>>) src(%dma_wait3A_156 : memref<128x64xf32, #tpu.memory_space<hbm>>) dst(%dma_wait3A_153 : memref<128x64xf32, #tpu.memory_space<vmem>>)
    %dma_start3A_157 = arith.constant 0 : i32
    %dma_start3A_158 = arith.constant 0 : i32
    %dma_start3A_159 = tpu.memref_slice %arg4[%dma_start3A_157, %mul3A_2, %dma_start3A_158] : memref<200x4096x64xf32, #tpu.memory_space<hbm>> -> memref<4x128x64xf32, #tpu.memory_space<hbm>>
    %dma_start3A_160 = arith.constant 0 : i32
    %dma_start3A_161 = arith.constant 0 : i32
    %dma_start3A_162 = tpu.memref_slice %arg4[%dma_start3A_160, %mul3A_2, %dma_start3A_161] : memref<200x4096x64xf32, #tpu.memory_space<hbm>> -> memref<4x128x64xf32, #tpu.memory_space<hbm>>
    tpu.enqueue_dma source(%arg6 : memref<4x128x64xf32, #tpu.memory_space<vmem>>) target(%dma_start3A_162 : memref<4x128x64xf32, #tpu.memory_space<hbm>>) target_semaphore(%arg10 : memref<!tpu.dma_semaphore, #tpu.memory_space<semaphore_mem>>)
    %dma_wait3A_163 = arith.constant 0 : i32
    %dma_wait3A_164 = arith.constant 0 : i32
    %dma_wait3A_165 = tpu.memref_slice %arg4[%dma_wait3A_163, %mul3A_2, %dma_wait3A_164] : memref<200x4096x64xf32, #tpu.memory_space<hbm>> -> memref<4x128x64xf32, #tpu.memory_space<hbm>>
    %dma_wait3A_166 = arith.constant 0 : i32
    %dma_wait3A_167 = arith.constant 0 : i32
    %dma_wait3A_168 = tpu.memref_slice %arg4[%dma_wait3A_166, %mul3A_2, %dma_wait3A_167] : memref<200x4096x64xf32, #tpu.memory_space<hbm>> -> memref<4x128x64xf32, #tpu.memory_space<hbm>>
    tpu.wait_dma2 semaphore(%arg10 : memref<!tpu.dma_semaphore, #tpu.memory_space<semaphore_mem>>) src(%arg6 : memref<4x128x64xf32, #tpu.memory_space<vmem>>) dst(%dma_wait3A_168 : memref<4x128x64xf32, #tpu.memory_space<hbm>>)
    %dma_start3A_169 = arith.constant 8 : i32
    %dma_start3A_170 = arith.constant 0 : i32
    %dma_start3A_171 = arith.constant 0 : i32
    %dma_start3A_172 = arith.constant 0 : i32
    %dma_start3A_173 = tpu.memref_slice %arg6[%dma_start3A_170, %dma_start3A_171, %dma_start3A_172] : memref<4x128x64xf32, #tpu.memory_space<vmem>> -> memref<1x128x64xf32, #tpu.memory_space<vmem>>
    %dma_start3A_174 = tpu.memref_squeeze %dma_start3A_173 : memref<1x128x64xf32, #tpu.memory_space<vmem>> -> memref<128x64xf32, #tpu.memory_space<vmem>>
    %dma_start3A_175 = arith.constant 0 : i32
    %dma_start3A_176 = tpu.memref_slice %arg5[%dma_start3A_169, %dma_start3A_175] : memref<200x128xi32, #tpu.memory_space<vmem>> -> memref<1x128xi32, #tpu.memory_space<vmem>>
    %dma_start3A_177 = tpu.memref_squeeze %dma_start3A_176 : memref<1x128xi32, #tpu.memory_space<vmem>> -> memref<128xi32, #tpu.memory_space<vmem>>
    %dma_start3A_178 = arith.constant 0 : i32
    %dma_start3A_179 = arith.constant 0 : i32
    %dma_start3A_180 = tpu.memref_slice %arg2[%dma_start3A_178, %dma_start3A_179] : memref<1000000x64xf32, #tpu.memory_space<hbm>> -> memref<1000000x64xf32, #tpu.memory_space<hbm>>
    tpu.enqueue_indirect_dma source(%dma_start3A_180 : memref<1000000x64xf32, #tpu.memory_space<hbm>>) target(%dma_start3A_174 : memref<128x64xf32, #tpu.memory_space<vmem>>) offsets(%dma_start3A_177 : memref<128xi32, #tpu.memory_space<vmem>>) semaphore(%arg8 : memref<!tpu.dma_semaphore, #tpu.memory_space<semaphore_mem>>)
    %dma_start3A_181 = arith.constant 9 : i32
    %dma_start3A_182 = arith.constant 1 : i32
    %dma_start3A_183 = arith.constant 0 : i32
    %dma_start3A_184 = arith.constant 0 : i32
    %dma_start3A_185 = tpu.memref_slice %arg6[%dma_start3A_182, %dma_start3A_183, %dma_start3A_184] : memref<4x128x64xf32, #tpu.memory_space<vmem>> -> memref<1x128x64xf32, #tpu.memory_space<vmem>>
    %dma_start3A_186 = tpu.memref_squeeze %dma_start3A_185 : memref<1x128x64xf32, #tpu.memory_space<vmem>> -> memref<128x64xf32, #tpu.memory_space<vmem>>
    %dma_start3A_187 = arith.constant 0 : i32
    %dma_start3A_188 = tpu.memref_slice %arg5[%dma_start3A_181, %dma_start3A_187] : memref<200x128xi32, #tpu.memory_space<vmem>> -> memref<1x128xi32, #tpu.memory_space<vmem>>
    %dma_start3A_189 = tpu.memref_squeeze %dma_start3A_188 : memref<1x128xi32, #tpu.memory_space<vmem>> -> memref<128xi32, #tpu.memory_space<vmem>>
    %dma_start3A_190 = arith.constant 0 : i32
    %dma_start3A_191 = arith.constant 0 : i32
    %dma_start3A_192 = tpu.memref_slice %arg2[%dma_start3A_190, %dma_start3A_191] : memref<1000000x64xf32, #tpu.memory_space<hbm>> -> memref<1000000x64xf32, #tpu.memory_space<hbm>>
    tpu.enqueue_indirect_dma source(%dma_start3A_192 : memref<1000000x64xf32, #tpu.memory_space<hbm>>) target(%dma_start3A_186 : memref<128x64xf32, #tpu.memory_space<vmem>>) offsets(%dma_start3A_189 : memref<128xi32, #tpu.memory_space<vmem>>) semaphore(%arg8 : memref<!tpu.dma_semaphore, #tpu.memory_space<semaphore_mem>>)
    %dma_start3A_193 = arith.constant 10 : i32
    %dma_start3A_194 = arith.constant 2 : i32
    %dma_start3A_195 = arith.constant 0 : i32
    %dma_start3A_196 = arith.constant 0 : i32
    %dma_start3A_197 = tpu.memref_slice %arg6[%dma_start3A_194, %dma_start3A_195, %dma_start3A_196] : memref<4x128x64xf32, #tpu.memory_space<vmem>> -> memref<1x128x64xf32, #tpu.memory_space<vmem>>
    %dma_start3A_198 = tpu.memref_squeeze %dma_start3A_197 : memref<1x128x64xf32, #tpu.memory_space<vmem>> -> memref<128x64xf32, #tpu.memory_space<vmem>>
    %dma_start3A_199 = arith.constant 0 : i32
    %dma_start3A_200 = tpu.memref_slice %arg5[%dma_start3A_193, %dma_start3A_199] : memref<200x128xi32, #tpu.memory_space<vmem>> -> memref<1x128xi32, #tpu.memory_space<vmem>>
    %dma_start3A_201 = tpu.memref_squeeze %dma_start3A_200 : memref<1x128xi32, #tpu.memory_space<vmem>> -> memref<128xi32, #tpu.memory_space<vmem>>
    %dma_start3A_202 = arith.constant 0 : i32
    %dma_start3A_203 = arith.constant 0 : i32
    %dma_start3A_204 = tpu.memref_slice %arg2[%dma_start3A_202, %dma_start3A_203] : memref<1000000x64xf32, #tpu.memory_space<hbm>> -> memref<1000000x64xf32, #tpu.memory_space<hbm>>
    tpu.enqueue_indirect_dma source(%dma_start3A_204 : memref<1000000x64xf32, #tpu.memory_space<hbm>>) target(%dma_start3A_198 : memref<128x64xf32, #tpu.memory_space<vmem>>) offsets(%dma_start3A_201 : memref<128xi32, #tpu.memory_space<vmem>>) semaphore(%arg8 : memref<!tpu.dma_semaphore, #tpu.memory_space<semaphore_mem>>)
    %dma_start3A_205 = arith.constant 11 : i32
    %dma_start3A_206 = arith.constant 3 : i32
    %dma_start3A_207 = arith.constant 0 : i32
    %dma_start3A_208 = arith.constant 0 : i32
    %dma_start3A_209 = tpu.memref_slice %arg6[%dma_start3A_206, %dma_start3A_207, %dma_start3A_208] : memref<4x128x64xf32, #tpu.memory_space<vmem>> -> memref<1x128x64xf32, #tpu.memory_space<vmem>>
    %dma_start3A_210 = tpu.memref_squeeze %dma_start3A_209 : memref<1x128x64xf32, #tpu.memory_space<vmem>> -> memref<128x64xf32, #tpu.memory_space<vmem>>
    %dma_start3A_211 = arith.constant 0 : i32
    %dma_start3A_212 = tpu.memref_slice %arg5[%dma_start3A_205, %dma_start3A_211] : memref<200x128xi32, #tpu.memory_space<vmem>> -> memref<1x128xi32, #tpu.memory_space<vmem>>
    %dma_start3A_213 = tpu.memref_squeeze %dma_start3A_212 : memref<1x128xi32, #tpu.memory_space<vmem>> -> memref<128xi32, #tpu.memory_space<vmem>>
    %dma_start3A_214 = arith.constant 0 : i32
    %dma_start3A_215 = arith.constant 0 : i32
    %dma_start3A_216 = tpu.memref_slice %arg2[%dma_start3A_214, %dma_start3A_215] : memref<1000000x64xf32, #tpu.memory_space<hbm>> -> memref<1000000x64xf32, #tpu.memory_space<hbm>>
    tpu.enqueue_indirect_dma source(%dma_start3A_216 : memref<1000000x64xf32, #tpu.memory_space<hbm>>) target(%dma_start3A_210 : memref<128x64xf32, #tpu.memory_space<vmem>>) offsets(%dma_start3A_213 : memref<128xi32, #tpu.memory_space<vmem>>) semaphore(%arg8 : memref<!tpu.dma_semaphore, #tpu.memory_space<semaphore_mem>>)
    %dma_wait3A_217 = arith.constant 0 : i32
    %dma_wait3A_218 = arith.constant 0 : i32
    %dma_wait3A_219 = arith.constant 0 : i32
    %dma_wait3A_220 = tpu.memref_slice %arg7[%dma_wait3A_217, %dma_wait3A_218, %dma_wait3A_219] : memref<4x128x64xf32, #tpu.memory_space<vmem>> -> memref<1x128x64xf32, #tpu.memory_space<vmem>>
    %dma_wait3A_221 = tpu.memref_squeeze %dma_wait3A_220 : memref<1x128x64xf32, #tpu.memory_space<vmem>> -> memref<128x64xf32, #tpu.memory_space<vmem>>
    %dma_wait3A_222 = arith.constant 0 : i32
    %dma_wait3A_223 = arith.constant 0 : i32
    %dma_wait3A_224 = tpu.memref_slice %arg2[%dma_wait3A_222, %dma_wait3A_223] : memref<1000000x64xf32, #tpu.memory_space<hbm>> -> memref<128x64xf32, #tpu.memory_space<hbm>>
    %dma_wait3A_225 = arith.constant 0 : i32
    %dma_wait3A_226 = arith.constant 0 : i32
    %dma_wait3A_227 = tpu.memref_slice %arg7[%dma_wait3A_217, %dma_wait3A_225, %dma_wait3A_226] : memref<4x128x64xf32, #tpu.memory_space<vmem>> -> memref<1x128x64xf32, #tpu.memory_space<vmem>>
    %dma_wait3A_228 = tpu.memref_squeeze %dma_wait3A_227 : memref<1x128x64xf32, #tpu.memory_space<vmem>> -> memref<128x64xf32, #tpu.memory_space<vmem>>
    %dma_wait3A_229 = arith.constant 0 : i32
    %dma_wait3A_230 = arith.constant 0 : i32
    %dma_wait3A_231 = tpu.memref_slice %arg2[%dma_wait3A_229, %dma_wait3A_230] : memref<1000000x64xf32, #tpu.memory_space<hbm>> -> memref<128x64xf32, #tpu.memory_space<hbm>>
    tpu.wait_dma2 semaphore(%arg9 : memref<!tpu.dma_semaphore, #tpu.memory_space<semaphore_mem>>) src(%dma_wait3A_231 : memref<128x64xf32, #tpu.memory_space<hbm>>) dst(%dma_wait3A_228 : memref<128x64xf32, #tpu.memory_space<vmem>>)
    %dma_wait3A_232 = arith.constant 1 : i32
    %dma_wait3A_233 = arith.constant 0 : i32
    %dma_wait3A_234 = arith.constant 0 : i32
    %dma_wait3A_235 = tpu.memref_slice %arg7[%dma_wait3A_232, %dma_wait3A_233, %dma_wait3A_234] : memref<4x128x64xf32, #tpu.memory_space<vmem>> -> memref<1x128x64xf32, #tpu.memory_space<vmem>>
    %dma_wait3A_236 = tpu.memref_squeeze %dma_wait3A_235 : memref<1x128x64xf32, #tpu.memory_space<vmem>> -> memref<128x64xf32, #tpu.memory_space<vmem>>
    %dma_wait3A_237 = arith.constant 0 : i32
    %dma_wait3A_238 = arith.constant 0 : i32
    %dma_wait3A_239 = tpu.memref_slice %arg2[%dma_wait3A_237, %dma_wait3A_238] : memref<1000000x64xf32, #tpu.memory_space<hbm>> -> memref<128x64xf32, #tpu.memory_space<hbm>>
    %dma_wait3A_240 = arith.constant 0 : i32
    %dma_wait3A_241 = arith.constant 0 : i32
    %dma_wait3A_242 = tpu.memref_slice %arg7[%dma_wait3A_232, %dma_wait3A_240, %dma_wait3A_241] : memref<4x128x64xf32, #tpu.memory_space<vmem>> -> memref<1x128x64xf32, #tpu.memory_space<vmem>>
    %dma_wait3A_243 = tpu.memref_squeeze %dma_wait3A_242 : memref<1x128x64xf32, #tpu.memory_space<vmem>> -> memref<128x64xf32, #tpu.memory_space<vmem>>
    %dma_wait3A_244 = arith.constant 0 : i32
    %dma_wait3A_245 = arith.constant 0 : i32
    %dma_wait3A_246 = tpu.memref_slice %arg2[%dma_wait3A_244, %dma_wait3A_245] : memref<1000000x64xf32, #tpu.memory_space<hbm>> -> memref<128x64xf32, #tpu.memory_space<hbm>>
    tpu.wait_dma2 semaphore(%arg9 : memref<!tpu.dma_semaphore, #tpu.memory_space<semaphore_mem>>) src(%dma_wait3A_246 : memref<128x64xf32, #tpu.memory_space<hbm>>) dst(%dma_wait3A_243 : memref<128x64xf32, #tpu.memory_space<vmem>>)
    %dma_wait3A_247 = arith.constant 2 : i32
    %dma_wait3A_248 = arith.constant 0 : i32
    %dma_wait3A_249 = arith.constant 0 : i32
    %dma_wait3A_250 = tpu.memref_slice %arg7[%dma_wait3A_247, %dma_wait3A_248, %dma_wait3A_249] : memref<4x128x64xf32, #tpu.memory_space<vmem>> -> memref<1x128x64xf32, #tpu.memory_space<vmem>>
    %dma_wait3A_251 = tpu.memref_squeeze %dma_wait3A_250 : memref<1x128x64xf32, #tpu.memory_space<vmem>> -> memref<128x64xf32, #tpu.memory_space<vmem>>
    %dma_wait3A_252 = arith.constant 0 : i32
    %dma_wait3A_253 = arith.constant 0 : i32
    %dma_wait3A_254 = tpu.memref_slice %arg2[%dma_wait3A_252, %dma_wait3A_253] : memref<1000000x64xf32, #tpu.memory_space<hbm>> -> memref<128x64xf32, #tpu.memory_space<hbm>>
    %dma_wait3A_255 = arith.constant 0 : i32
    %dma_wait3A_256 = arith.constant 0 : i32
    %dma_wait3A_257 = tpu.memref_slice %arg7[%dma_wait3A_247, %dma_wait3A_255, %dma_wait3A_256] : memref<4x128x64xf32, #tpu.memory_space<vmem>> -> memref<1x128x64xf32, #tpu.memory_space<vmem>>
    %dma_wait3A_258 = tpu.memref_squeeze %dma_wait3A_257 : memref<1x128x64xf32, #tpu.memory_space<vmem>> -> memref<128x64xf32, #tpu.memory_space<vmem>>
    %dma_wait3A_259 = arith.constant 0 : i32
    %dma_wait3A_260 = arith.constant 0 : i32
    %dma_wait3A_261 = tpu.memref_slice %arg2[%dma_wait3A_259, %dma_wait3A_260] : memref<1000000x64xf32, #tpu.memory_space<hbm>> -> memref<128x64xf32, #tpu.memory_space<hbm>>
    tpu.wait_dma2 semaphore(%arg9 : memref<!tpu.dma_semaphore, #tpu.memory_space<semaphore_mem>>) src(%dma_wait3A_261 : memref<128x64xf32, #tpu.memory_space<hbm>>) dst(%dma_wait3A_258 : memref<128x64xf32, #tpu.memory_space<vmem>>)
    %dma_wait3A_262 = arith.constant 3 : i32
    %dma_wait3A_263 = arith.constant 0 : i32
    %dma_wait3A_264 = arith.constant 0 : i32
    %dma_wait3A_265 = tpu.memref_slice %arg7[%dma_wait3A_262, %dma_wait3A_263, %dma_wait3A_264] : memref<4x128x64xf32, #tpu.memory_space<vmem>> -> memref<1x128x64xf32, #tpu.memory_space<vmem>>
    %dma_wait3A_266 = tpu.memref_squeeze %dma_wait3A_265 : memref<1x128x64xf32, #tpu.memory_space<vmem>> -> memref<128x64xf32, #tpu.memory_space<vmem>>
    %dma_wait3A_267 = arith.constant 0 : i32
    %dma_wait3A_268 = arith.constant 0 : i32
    %dma_wait3A_269 = tpu.memref_slice %arg2[%dma_wait3A_267, %dma_wait3A_268] : memref<1000000x64xf32, #tpu.memory_space<hbm>> -> memref<128x64xf32, #tpu.memory_space<hbm>>
    %dma_wait3A_270 = arith.constant 0 : i32
    %dma_wait3A_271 = arith.constant 0 : i32
    %dma_wait3A_272 = tpu.memref_slice %arg7[%dma_wait3A_262, %dma_wait3A_270, %dma_wait3A_271] : memref<4x128x64xf32, #tpu.memory_space<vmem>> -> memref<1x128x64xf32, #tpu.memory_space<vmem>>
    %dma_wait3A_273 = tpu.memref_squeeze %dma_wait3A_272 : memref<1x128x64xf32, #tpu.memory_space<vmem>> -> memref<128x64xf32, #tpu.memory_space<vmem>>
    %dma_wait3A_274 = arith.constant 0 : i32
    %dma_wait3A_275 = arith.constant 0 : i32
    %dma_wait3A_276 = tpu.memref_slice %arg2[%dma_wait3A_274, %dma_wait3A_275] : memref<1000000x64xf32, #tpu.memory_space<hbm>> -> memref<128x64xf32, #tpu.memory_space<hbm>>
    tpu.wait_dma2 semaphore(%arg9 : memref<!tpu.dma_semaphore, #tpu.memory_space<semaphore_mem>>) src(%dma_wait3A_276 : memref<128x64xf32, #tpu.memory_space<hbm>>) dst(%dma_wait3A_273 : memref<128x64xf32, #tpu.memory_space<vmem>>)
    %dma_start3A_277 = arith.constant 4 : i32
    %dma_start3A_278 = arith.constant 0 : i32
    %dma_start3A_279 = tpu.memref_slice %arg4[%dma_start3A_277, %mul3A_2, %dma_start3A_278] : memref<200x4096x64xf32, #tpu.memory_space<hbm>> -> memref<4x128x64xf32, #tpu.memory_space<hbm>>
    %dma_start3A_280 = arith.constant 4 : i32
    %dma_start3A_281 = arith.constant 0 : i32
    %dma_start3A_282 = tpu.memref_slice %arg4[%dma_start3A_280, %mul3A_2, %dma_start3A_281] : memref<200x4096x64xf32, #tpu.memory_space<hbm>> -> memref<4x128x64xf32, #tpu.memory_space<hbm>>
    tpu.enqueue_dma source(%arg7 : memref<4x128x64xf32, #tpu.memory_space<vmem>>) target(%dma_start3A_282 : memref<4x128x64xf32, #tpu.memory_space<hbm>>) target_semaphore(%arg11 : memref<!tpu.dma_semaphore, #tpu.memory_space<semaphore_mem>>)
    %dma_wait3A_283 = arith.constant 0 : i32
    %dma_wait3A_284 = arith.constant 0 : i32
    %dma_wait3A_285 = tpu.memref_slice %arg4[%dma_wait3A_283, %mul3A_2, %dma_wait3A_284] : memref<200x4096x64xf32, #tpu.memory_space<hbm>> -> memref<4x128x64xf32, #tpu.memory_space<hbm>>
    %dma_wait3A_286 = arith.constant 0 : i32
    %dma_wait3A_287 = arith.constant 0 : i32
    %dma_wait3A_288 = tpu.memref_slice %arg4[%dma_wait3A_286, %mul3A_2, %dma_wait3A_287] : memref<200x4096x64xf32, #tpu.memory_space<hbm>> -> memref<4x128x64xf32, #tpu.memory_space<hbm>>
    tpu.wait_dma2 semaphore(%arg11 : memref<!tpu.dma_semaphore, #tpu.memory_space<semaphore_mem>>) src(%arg7 : memref<4x128x64xf32, #tpu.memory_space<vmem>>) dst(%dma_wait3A_288 : memref<4x128x64xf32, #tpu.memory_space<hbm>>)
    %dma_start3A_289 = arith.constant 12 : i32
    %dma_start3A_290 = arith.constant 0 : i32
    %dma_start3A_291 = arith.constant 0 : i32
    %dma_start3A_292 = arith.constant 0 : i32
    %dma_start3A_293 = tpu.memref_slice %arg7[%dma_start3A_290, %dma_start3A_291, %dma_start3A_292] : memref<4x128x64xf32, #tpu.memory_space<vmem>> -> memref<1x128x64xf32, #tpu.memory_space<vmem>>
    %dma_start3A_294 = tpu.memref_squeeze %dma_start3A_293 : memref<1x128x64xf32, #tpu.memory_space<vmem>> -> memref<128x64xf32, #tpu.memory_space<vmem>>
    %dma_start3A_295 = arith.constant 0 : i32
    %dma_start3A_296 = tpu.memref_slice %arg5[%dma_start3A_289, %dma_start3A_295] : memref<200x128xi32, #tpu.memory_space<vmem>> -> memref<1x128xi32, #tpu.memory_space<vmem>>
    %dma_start3A_297 = tpu.memref_squeeze %dma_start3A_296 : memref<1x128xi32, #tpu.memory_space<vmem>> -> memref<128xi32, #tpu.memory_space<vmem>>
    %dma_start3A_298 = arith.constant 0 : i32
    %dma_start3A_299 = arith.constant 0 : i32
    %dma_start3A_300 = tpu.memref_slice %arg2[%dma_start3A_298, %dma_start3A_299] : memref<1000000x64xf32, #tpu.memory_space<hbm>> -> memref<1000000x64xf32, #tpu.memory_space<hbm>>
    tpu.enqueue_indirect_dma source(%dma_start3A_300 : memref<1000000x64xf32, #tpu.memory_space<hbm>>) target(%dma_start3A_294 : memref<128x64xf32, #tpu.memory_space<vmem>>) offsets(%dma_start3A_297 : memref<128xi32, #tpu.memory_space<vmem>>) semaphore(%arg9 : memref<!tpu.dma_semaphore, #tpu.memory_space<semaphore_mem>>)
    %dma_start3A_301 = arith.constant 13 : i32
    %dma_start3A_302 = arith.constant 1 : i32
    %dma_start3A_303 = arith.constant 0 : i32
    %dma_start3A_304 = arith.constant 0 : i32
    %dma_start3A_305 = tpu.memref_slice %arg7[%dma_start3A_302, %dma_start3A_303, %dma_start3A_304] : memref<4x128x64xf32, #tpu.memory_space<vmem>> -> memref<1x128x64xf32, #tpu.memory_space<vmem>>
    %dma_start3A_306 = tpu.memref_squeeze %dma_start3A_305 : memref<1x128x64xf32, #tpu.memory_space<vmem>> -> memref<128x64xf32, #tpu.memory_space<vmem>>
    %dma_start3A_307 = arith.constant 0 : i32
    %dma_start3A_308 = tpu.memref_slice %arg5[%dma_start3A_301, %dma_start3A_307] : memref<200x128xi32, #tpu.memory_space<vmem>> -> memref<1x128xi32, #tpu.memory_space<vmem>>
    %dma_start3A_309 = tpu.memref_squeeze %dma_start3A_308 : memref<1x128xi32, #tpu.memory_space<vmem>> -> memref<128xi32, #tpu.memory_space<vmem>>
    %dma_start3A_310 = arith.constant 0 : i32
    %dma_start3A_311 = arith.constant 0 : i32
    %dma_start3A_312 = tpu.memref_slice %arg2[%dma_start3A_310, %dma_start3A_311] : memref<1000000x64xf32, #tpu.memory_space<hbm>> -> memref<1000000x64xf32, #tpu.memory_space<hbm>>
    tpu.enqueue_indirect_dma source(%dma_start3A_312 : memref<1000000x64xf32, #tpu.memory_space<hbm>>) target(%dma_start3A_306 : memref<128x64xf32, #tpu.memory_space<vmem>>) offsets(%dma_start3A_309 : memref<128xi32, #tpu.memory_space<vmem>>) semaphore(%arg9 : memref<!tpu.dma_semaphore, #tpu.memory_space<semaphore_mem>>)
    %dma_start3A_313 = arith.constant 14 : i32
    %dma_start3A_314 = arith.constant 2 : i32
    %dma_start3A_315 = arith.constant 0 : i32
    %dma_start3A_316 = arith.constant 0 : i32
    %dma_start3A_317 = tpu.memref_slice %arg7[%dma_start3A_314, %dma_start3A_315, %dma_start3A_316] : memref<4x128x64xf32, #tpu.memory_space<vmem>> -> memref<1x128x64xf32, #tpu.memory_space<vmem>>
    %dma_start3A_318 = tpu.memref_squeeze %dma_start3A_317 : memref<1x128x64xf32, #tpu.memory_space<vmem>> -> memref<128x64xf32, #tpu.memory_space<vmem>>
    %dma_start3A_319 = arith.constant 0 : i32
    %dma_start3A_320 = tpu.memref_slice %arg5[%dma_start3A_313, %dma_start3A_319] : memref<200x128xi32, #tpu.memory_space<vmem>> -> memref<1x128xi32, #tpu.memory_space<vmem>>
    %dma_start3A_321 = tpu.memref_squeeze %dma_start3A_320 : memref<1x128xi32, #tpu.memory_space<vmem>> -> memref<128xi32, #tpu.memory_space<vmem>>
    %dma_start3A_322 = arith.constant 0 : i32
    %dma_start3A_323 = arith.constant 0 : i32
    %dma_start3A_324 = tpu.memref_slice %arg2[%dma_start3A_322, %dma_start3A_323] : memref<1000000x64xf32, #tpu.memory_space<hbm>> -> memref<1000000x64xf32, #tpu.memory_space<hbm>>
    tpu.enqueue_indirect_dma source(%dma_start3A_324 : memref<1000000x64xf32, #tpu.memory_space<hbm>>) target(%dma_start3A_318 : memref<128x64xf32, #tpu.memory_space<vmem>>) offsets(%dma_start3A_321 : memref<128xi32, #tpu.memory_space<vmem>>) semaphore(%arg9 : memref<!tpu.dma_semaphore, #tpu.memory_space<semaphore_mem>>)
    %dma_start3A_325 = arith.constant 15 : i32
    %dma_start3A_326 = arith.constant 3 : i32
    %dma_start3A_327 = arith.constant 0 : i32
    %dma_start3A_328 = arith.constant 0 : i32
    %dma_start3A_329 = tpu.memref_slice %arg7[%dma_start3A_326, %dma_start3A_327, %dma_start3A_328] : memref<4x128x64xf32, #tpu.memory_space<vmem>> -> memref<1x128x64xf32, #tpu.memory_space<vmem>>
    %dma_start3A_330 = tpu.memref_squeeze %dma_start3A_329 : memref<1x128x64xf32, #tpu.memory_space<vmem>> -> memref<128x64xf32, #tpu.memory_space<vmem>>
    %dma_start3A_331 = arith.constant 0 : i32
    %dma_start3A_332 = tpu.memref_slice %arg5[%dma_start3A_325, %dma_start3A_331] : memref<200x128xi32, #tpu.memory_space<vmem>> -> memref<1x128xi32, #tpu.memory_space<vmem>>
    %dma_start3A_333 = tpu.memref_squeeze %dma_start3A_332 : memref<1x128xi32, #tpu.memory_space<vmem>> -> memref<128xi32, #tpu.memory_space<vmem>>
    %dma_start3A_334 = arith.constant 0 : i32
    %dma_start3A_335 = arith.constant 0 : i32
    %dma_start3A_336 = tpu.memref_slice %arg2[%dma_start3A_334, %dma_start3A_335] : memref<1000000x64xf32, #tpu.memory_space<hbm>> -> memref<1000000x64xf32, #tpu.memory_space<hbm>>
    tpu.enqueue_indirect_dma source(%dma_start3A_336 : memref<1000000x64xf32, #tpu.memory_space<hbm>>) target(%dma_start3A_330 : memref<128x64xf32, #tpu.memory_space<vmem>>) offsets(%dma_start3A_333 : memref<128xi32, #tpu.memory_space<vmem>>) semaphore(%arg9 : memref<!tpu.dma_semaphore, #tpu.memory_space<semaphore_mem>>)
    %scan3A = arith.constant 0 : i32
    %scan3A_337 = arith.constant 1 : i32
    %scan3A_338 = arith.constant 23 : i32
    %scan3A_339 = arith.addi %scan3A_337, %scan3A_338 : i32
    %scan3A_340 = arith.constant 1 : i32
    scf.for %scan3A_486 = %scan3A_337 to %scan3A_339 step %scan3A_340  : i32 {
      %mul3A_487 = arith.constant 2 : i32
      %mul3A_488 = arith.muli %mul3A_487, %scan3A_486 : i32
      %dma_wait3A_489 = arith.constant 0 : i32
      %dma_wait3A_490 = arith.constant 0 : i32
      %dma_wait3A_491 = arith.constant 0 : i32
      %dma_wait3A_492 = tpu.memref_slice %arg6[%dma_wait3A_489, %dma_wait3A_490, %dma_wait3A_491] : memref<4x128x64xf32, #tpu.memory_space<vmem>> -> memref<1x128x64xf32, #tpu.memory_space<vmem>>
      %dma_wait3A_493 = tpu.memref_squeeze %dma_wait3A_492 : memref<1x128x64xf32, #tpu.memory_space<vmem>> -> memref<128x64xf32, #tpu.memory_space<vmem>>
      %dma_wait3A_494 = arith.constant 0 : i32
      %dma_wait3A_495 = arith.constant 0 : i32
      %dma_wait3A_496 = tpu.memref_slice %arg2[%dma_wait3A_494, %dma_wait3A_495] : memref<1000000x64xf32, #tpu.memory_space<hbm>> -> memref<128x64xf32, #tpu.memory_space<hbm>>
      %dma_wait3A_497 = arith.constant 0 : i32
      %dma_wait3A_498 = arith.constant 0 : i32
      %dma_wait3A_499 = tpu.memref_slice %arg6[%dma_wait3A_489, %dma_wait3A_497, %dma_wait3A_498] : memref<4x128x64xf32, #tpu.memory_space<vmem>> -> memref<1x128x64xf32, #tpu.memory_space<vmem>>
      %dma_wait3A_500 = tpu.memref_squeeze %dma_wait3A_499 : memref<1x128x64xf32, #tpu.memory_space<vmem>> -> memref<128x64xf32, #tpu.memory_space<vmem>>
      %dma_wait3A_501 = arith.constant 0 : i32
      %dma_wait3A_502 = arith.constant 0 : i32
      %dma_wait3A_503 = tpu.memref_slice %arg2[%dma_wait3A_501, %dma_wait3A_502] : memref<1000000x64xf32, #tpu.memory_space<hbm>> -> memref<128x64xf32, #tpu.memory_space<hbm>>
      tpu.wait_dma2 semaphore(%arg8 : memref<!tpu.dma_semaphore, #tpu.memory_space<semaphore_mem>>) src(%dma_wait3A_503 : memref<128x64xf32, #tpu.memory_space<hbm>>) dst(%dma_wait3A_500 : memref<128x64xf32, #tpu.memory_space<vmem>>)
      %dma_wait3A_504 = arith.constant 1 : i32
      %dma_wait3A_505 = arith.constant 0 : i32
      %dma_wait3A_506 = arith.constant 0 : i32
      %dma_wait3A_507 = tpu.memref_slice %arg6[%dma_wait3A_504, %dma_wait3A_505, %dma_wait3A_506] : memref<4x128x64xf32, #tpu.memory_space<vmem>> -> memref<1x128x64xf32, #tpu.memory_space<vmem>>
      %dma_wait3A_508 = tpu.memref_squeeze %dma_wait3A_507 : memref<1x128x64xf32, #tpu.memory_space<vmem>> -> memref<128x64xf32, #tpu.memory_space<vmem>>
      %dma_wait3A_509 = arith.constant 0 : i32
      %dma_wait3A_510 = arith.constant 0 : i32
      %dma_wait3A_511 = tpu.memref_slice %arg2[%dma_wait3A_509, %dma_wait3A_510] : memref<1000000x64xf32, #tpu.memory_space<hbm>> -> memref<128x64xf32, #tpu.memory_space<hbm>>
      %dma_wait3A_512 = arith.constant 0 : i32
      %dma_wait3A_513 = arith.constant 0 : i32
      %dma_wait3A_514 = tpu.memref_slice %arg6[%dma_wait3A_504, %dma_wait3A_512, %dma_wait3A_513] : memref<4x128x64xf32, #tpu.memory_space<vmem>> -> memref<1x128x64xf32, #tpu.memory_space<vmem>>
      %dma_wait3A_515 = tpu.memref_squeeze %dma_wait3A_514 : memref<1x128x64xf32, #tpu.memory_space<vmem>> -> memref<128x64xf32, #tpu.memory_space<vmem>>
      %dma_wait3A_516 = arith.constant 0 : i32
      %dma_wait3A_517 = arith.constant 0 : i32
      %dma_wait3A_518 = tpu.memref_slice %arg2[%dma_wait3A_516, %dma_wait3A_517] : memref<1000000x64xf32, #tpu.memory_space<hbm>> -> memref<128x64xf32, #tpu.memory_space<hbm>>
      tpu.wait_dma2 semaphore(%arg8 : memref<!tpu.dma_semaphore, #tpu.memory_space<semaphore_mem>>) src(%dma_wait3A_518 : memref<128x64xf32, #tpu.memory_space<hbm>>) dst(%dma_wait3A_515 : memref<128x64xf32, #tpu.memory_space<vmem>>)
      %dma_wait3A_519 = arith.constant 2 : i32
      %dma_wait3A_520 = arith.constant 0 : i32
      %dma_wait3A_521 = arith.constant 0 : i32
      %dma_wait3A_522 = tpu.memref_slice %arg6[%dma_wait3A_519, %dma_wait3A_520, %dma_wait3A_521] : memref<4x128x64xf32, #tpu.memory_space<vmem>> -> memref<1x128x64xf32, #tpu.memory_space<vmem>>
      %dma_wait3A_523 = tpu.memref_squeeze %dma_wait3A_522 : memref<1x128x64xf32, #tpu.memory_space<vmem>> -> memref<128x64xf32, #tpu.memory_space<vmem>>
      %dma_wait3A_524 = arith.constant 0 : i32
      %dma_wait3A_525 = arith.constant 0 : i32
      %dma_wait3A_526 = tpu.memref_slice %arg2[%dma_wait3A_524, %dma_wait3A_525] : memref<1000000x64xf32, #tpu.memory_space<hbm>> -> memref<128x64xf32, #tpu.memory_space<hbm>>
      %dma_wait3A_527 = arith.constant 0 : i32
      %dma_wait3A_528 = arith.constant 0 : i32
      %dma_wait3A_529 = tpu.memref_slice %arg6[%dma_wait3A_519, %dma_wait3A_527, %dma_wait3A_528] : memref<4x128x64xf32, #tpu.memory_space<vmem>> -> memref<1x128x64xf32, #tpu.memory_space<vmem>>
      %dma_wait3A_530 = tpu.memref_squeeze %dma_wait3A_529 : memref<1x128x64xf32, #tpu.memory_space<vmem>> -> memref<128x64xf32, #tpu.memory_space<vmem>>
      %dma_wait3A_531 = arith.constant 0 : i32
      %dma_wait3A_532 = arith.constant 0 : i32
      %dma_wait3A_533 = tpu.memref_slice %arg2[%dma_wait3A_531, %dma_wait3A_532] : memref<1000000x64xf32, #tpu.memory_space<hbm>> -> memref<128x64xf32, #tpu.memory_space<hbm>>
      tpu.wait_dma2 semaphore(%arg8 : memref<!tpu.dma_semaphore, #tpu.memory_space<semaphore_mem>>) src(%dma_wait3A_533 : memref<128x64xf32, #tpu.memory_space<hbm>>) dst(%dma_wait3A_530 : memref<128x64xf32, #tpu.memory_space<vmem>>)
      %dma_wait3A_534 = arith.constant 3 : i32
      %dma_wait3A_535 = arith.constant 0 : i32
      %dma_wait3A_536 = arith.constant 0 : i32
      %dma_wait3A_537 = tpu.memref_slice %arg6[%dma_wait3A_534, %dma_wait3A_535, %dma_wait3A_536] : memref<4x128x64xf32, #tpu.memory_space<vmem>> -> memref<1x128x64xf32, #tpu.memory_space<vmem>>
      %dma_wait3A_538 = tpu.memref_squeeze %dma_wait3A_537 : memref<1x128x64xf32, #tpu.memory_space<vmem>> -> memref<128x64xf32, #tpu.memory_space<vmem>>
      %dma_wait3A_539 = arith.constant 0 : i32
      %dma_wait3A_540 = arith.constant 0 : i32
      %dma_wait3A_541 = tpu.memref_slice %arg2[%dma_wait3A_539, %dma_wait3A_540] : memref<1000000x64xf32, #tpu.memory_space<hbm>> -> memref<128x64xf32, #tpu.memory_space<hbm>>
      %dma_wait3A_542 = arith.constant 0 : i32
      %dma_wait3A_543 = arith.constant 0 : i32
      %dma_wait3A_544 = tpu.memref_slice %arg6[%dma_wait3A_534, %dma_wait3A_542, %dma_wait3A_543] : memref<4x128x64xf32, #tpu.memory_space<vmem>> -> memref<1x128x64xf32, #tpu.memory_space<vmem>>
      %dma_wait3A_545 = tpu.memref_squeeze %dma_wait3A_544 : memref<1x128x64xf32, #tpu.memory_space<vmem>> -> memref<128x64xf32, #tpu.memory_space<vmem>>
      %dma_wait3A_546 = arith.constant 0 : i32
      %dma_wait3A_547 = arith.constant 0 : i32
      %dma_wait3A_548 = tpu.memref_slice %arg2[%dma_wait3A_546, %dma_wait3A_547] : memref<1000000x64xf32, #tpu.memory_space<hbm>> -> memref<128x64xf32, #tpu.memory_space<hbm>>
      tpu.wait_dma2 semaphore(%arg8 : memref<!tpu.dma_semaphore, #tpu.memory_space<semaphore_mem>>) src(%dma_wait3A_548 : memref<128x64xf32, #tpu.memory_space<hbm>>) dst(%dma_wait3A_545 : memref<128x64xf32, #tpu.memory_space<vmem>>)
      %mul3A_549 = arith.constant 4 : i32
      %mul3A_550 = arith.muli %mul3A_488, %mul3A_549 : i32
      %dma_start3A_551 = arith.constant 0 : i32
      %dma_start3A_552 = tpu.memref_slice %arg4[%mul3A_550, %mul3A_2, %dma_start3A_551] : memref<200x4096x64xf32, #tpu.memory_space<hbm>> -> memref<4x128x64xf32, #tpu.memory_space<hbm>>
      %dma_start3A_553 = arith.constant 0 : i32
      %dma_start3A_554 = tpu.memref_slice %arg4[%mul3A_550, %mul3A_2, %dma_start3A_553] : memref<200x4096x64xf32, #tpu.memory_space<hbm>> -> memref<4x128x64xf32, #tpu.memory_space<hbm>>
      tpu.enqueue_dma source(%arg6 : memref<4x128x64xf32, #tpu.memory_space<vmem>>) target(%dma_start3A_554 : memref<4x128x64xf32, #tpu.memory_space<hbm>>) target_semaphore(%arg10 : memref<!tpu.dma_semaphore, #tpu.memory_space<semaphore_mem>>)
      %dma_wait3A_555 = arith.constant 0 : i32
      %dma_wait3A_556 = arith.constant 0 : i32
      %dma_wait3A_557 = tpu.memref_slice %arg4[%dma_wait3A_555, %mul3A_2, %dma_wait3A_556] : memref<200x4096x64xf32, #tpu.memory_space<hbm>> -> memref<4x128x64xf32, #tpu.memory_space<hbm>>
      %dma_wait3A_558 = arith.constant 0 : i32
      %dma_wait3A_559 = arith.constant 0 : i32
      %dma_wait3A_560 = tpu.memref_slice %arg4[%dma_wait3A_558, %mul3A_2, %dma_wait3A_559] : memref<200x4096x64xf32, #tpu.memory_space<hbm>> -> memref<4x128x64xf32, #tpu.memory_space<hbm>>
      tpu.wait_dma2 semaphore(%arg10 : memref<!tpu.dma_semaphore, #tpu.memory_space<semaphore_mem>>) src(%arg6 : memref<4x128x64xf32, #tpu.memory_space<vmem>>) dst(%dma_wait3A_560 : memref<4x128x64xf32, #tpu.memory_space<hbm>>)
      %add3A_561 = arith.constant 2 : i32
      %add3A_562 = arith.addi %mul3A_488, %add3A_561 : i32
      %mul3A_563 = arith.constant 4 : i32
      %mul3A_564 = arith.muli %add3A_562, %mul3A_563 : i32
      %add3A_565 = arith.constant 0 : i32
      %add3A_566 = arith.addi %mul3A_564, %add3A_565 : i32
      %dma_start3A_567 = arith.constant 0 : i32
      %dma_start3A_568 = arith.constant 0 : i32
      %dma_start3A_569 = arith.constant 0 : i32
      %dma_start3A_570 = tpu.memref_slice %arg6[%dma_start3A_567, %dma_start3A_568, %dma_start3A_569] : memref<4x128x64xf32, #tpu.memory_space<vmem>> -> memref<1x128x64xf32, #tpu.memory_space<vmem>>
      %dma_start3A_571 = tpu.memref_squeeze %dma_start3A_570 : memref<1x128x64xf32, #tpu.memory_space<vmem>> -> memref<128x64xf32, #tpu.memory_space<vmem>>
      %dma_start3A_572 = arith.constant 0 : i32
      %dma_start3A_573 = tpu.memref_slice %arg5[%add3A_566, %dma_start3A_572] : memref<200x128xi32, #tpu.memory_space<vmem>> -> memref<1x128xi32, #tpu.memory_space<vmem>>
      %dma_start3A_574 = tpu.memref_squeeze %dma_start3A_573 : memref<1x128xi32, #tpu.memory_space<vmem>> -> memref<128xi32, #tpu.memory_space<vmem>>
      %dma_start3A_575 = arith.constant 0 : i32
      %dma_start3A_576 = arith.constant 0 : i32
      %dma_start3A_577 = tpu.memref_slice %arg2[%dma_start3A_575, %dma_start3A_576] : memref<1000000x64xf32, #tpu.memory_space<hbm>> -> memref<1000000x64xf32, #tpu.memory_space<hbm>>
      tpu.enqueue_indirect_dma source(%dma_start3A_577 : memref<1000000x64xf32, #tpu.memory_space<hbm>>) target(%dma_start3A_571 : memref<128x64xf32, #tpu.memory_space<vmem>>) offsets(%dma_start3A_574 : memref<128xi32, #tpu.memory_space<vmem>>) semaphore(%arg8 : memref<!tpu.dma_semaphore, #tpu.memory_space<semaphore_mem>>)
      %mul3A_578 = arith.constant 4 : i32
      %mul3A_579 = arith.muli %add3A_562, %mul3A_578 : i32
      %add3A_580 = arith.constant 1 : i32
      %add3A_581 = arith.addi %mul3A_579, %add3A_580 : i32
      %dma_start3A_582 = arith.constant 1 : i32
      %dma_start3A_583 = arith.constant 0 : i32
      %dma_start3A_584 = arith.constant 0 : i32
      %dma_start3A_585 = tpu.memref_slice %arg6[%dma_start3A_582, %dma_start3A_583, %dma_start3A_584] : memref<4x128x64xf32, #tpu.memory_space<vmem>> -> memref<1x128x64xf32, #tpu.memory_space<vmem>>
      %dma_start3A_586 = tpu.memref_squeeze %dma_start3A_585 : memref<1x128x64xf32, #tpu.memory_space<vmem>> -> memref<128x64xf32, #tpu.memory_space<vmem>>
      %dma_start3A_587 = arith.constant 0 : i32
      %dma_start3A_588 = tpu.memref_slice %arg5[%add3A_581, %dma_start3A_587] : memref<200x128xi32, #tpu.memory_space<vmem>> -> memref<1x128xi32, #tpu.memory_space<vmem>>
      %dma_start3A_589 = tpu.memref_squeeze %dma_start3A_588 : memref<1x128xi32, #tpu.memory_space<vmem>> -> memref<128xi32, #tpu.memory_space<vmem>>
      %dma_start3A_590 = arith.constant 0 : i32
      %dma_start3A_591 = arith.constant 0 : i32
      %dma_start3A_592 = tpu.memref_slice %arg2[%dma_start3A_590, %dma_start3A_591] : memref<1000000x64xf32, #tpu.memory_space<hbm>> -> memref<1000000x64xf32, #tpu.memory_space<hbm>>
      tpu.enqueue_indirect_dma source(%dma_start3A_592 : memref<1000000x64xf32, #tpu.memory_space<hbm>>) target(%dma_start3A_586 : memref<128x64xf32, #tpu.memory_space<vmem>>) offsets(%dma_start3A_589 : memref<128xi32, #tpu.memory_space<vmem>>) semaphore(%arg8 : memref<!tpu.dma_semaphore, #tpu.memory_space<semaphore_mem>>)
      %mul3A_593 = arith.constant 4 : i32
      %mul3A_594 = arith.muli %add3A_562, %mul3A_593 : i32
      %add3A_595 = arith.constant 2 : i32
      %add3A_596 = arith.addi %mul3A_594, %add3A_595 : i32
      %dma_start3A_597 = arith.constant 2 : i32
      %dma_start3A_598 = arith.constant 0 : i32
      %dma_start3A_599 = arith.constant 0 : i32
      %dma_start3A_600 = tpu.memref_slice %arg6[%dma_start3A_597, %dma_start3A_598, %dma_start3A_599] : memref<4x128x64xf32, #tpu.memory_space<vmem>> -> memref<1x128x64xf32, #tpu.memory_space<vmem>>
      %dma_start3A_601 = tpu.memref_squeeze %dma_start3A_600 : memref<1x128x64xf32, #tpu.memory_space<vmem>> -> memref<128x64xf32, #tpu.memory_space<vmem>>
      %dma_start3A_602 = arith.constant 0 : i32
      %dma_start3A_603 = tpu.memref_slice %arg5[%add3A_596, %dma_start3A_602] : memref<200x128xi32, #tpu.memory_space<vmem>> -> memref<1x128xi32, #tpu.memory_space<vmem>>
      %dma_start3A_604 = tpu.memref_squeeze %dma_start3A_603 : memref<1x128xi32, #tpu.memory_space<vmem>> -> memref<128xi32, #tpu.memory_space<vmem>>
      %dma_start3A_605 = arith.constant 0 : i32
      %dma_start3A_606 = arith.constant 0 : i32
      %dma_start3A_607 = tpu.memref_slice %arg2[%dma_start3A_605, %dma_start3A_606] : memref<1000000x64xf32, #tpu.memory_space<hbm>> -> memref<1000000x64xf32, #tpu.memory_space<hbm>>
      tpu.enqueue_indirect_dma source(%dma_start3A_607 : memref<1000000x64xf32, #tpu.memory_space<hbm>>) target(%dma_start3A_601 : memref<128x64xf32, #tpu.memory_space<vmem>>) offsets(%dma_start3A_604 : memref<128xi32, #tpu.memory_space<vmem>>) semaphore(%arg8 : memref<!tpu.dma_semaphore, #tpu.memory_space<semaphore_mem>>)
      %mul3A_608 = arith.constant 4 : i32
      %mul3A_609 = arith.muli %add3A_562, %mul3A_608 : i32
      %add3A_610 = arith.constant 3 : i32
      %add3A_611 = arith.addi %mul3A_609, %add3A_610 : i32
      %dma_start3A_612 = arith.constant 3 : i32
      %dma_start3A_613 = arith.constant 0 : i32
      %dma_start3A_614 = arith.constant 0 : i32
      %dma_start3A_615 = tpu.memref_slice %arg6[%dma_start3A_612, %dma_start3A_613, %dma_start3A_614] : memref<4x128x64xf32, #tpu.memory_space<vmem>> -> memref<1x128x64xf32, #tpu.memory_space<vmem>>
      %dma_start3A_616 = tpu.memref_squeeze %dma_start3A_615 : memref<1x128x64xf32, #tpu.memory_space<vmem>> -> memref<128x64xf32, #tpu.memory_space<vmem>>
      %dma_start3A_617 = arith.constant 0 : i32
      %dma_start3A_618 = tpu.memref_slice %arg5[%add3A_611, %dma_start3A_617] : memref<200x128xi32, #tpu.memory_space<vmem>> -> memref<1x128xi32, #tpu.memory_space<vmem>>
      %dma_start3A_619 = tpu.memref_squeeze %dma_start3A_618 : memref<1x128xi32, #tpu.memory_space<vmem>> -> memref<128xi32, #tpu.memory_space<vmem>>
      %dma_start3A_620 = arith.constant 0 : i32
      %dma_start3A_621 = arith.constant 0 : i32
      %dma_start3A_622 = tpu.memref_slice %arg2[%dma_start3A_620, %dma_start3A_621] : memref<1000000x64xf32, #tpu.memory_space<hbm>> -> memref<1000000x64xf32, #tpu.memory_space<hbm>>
      tpu.enqueue_indirect_dma source(%dma_start3A_622 : memref<1000000x64xf32, #tpu.memory_space<hbm>>) target(%dma_start3A_616 : memref<128x64xf32, #tpu.memory_space<vmem>>) offsets(%dma_start3A_619 : memref<128xi32, #tpu.memory_space<vmem>>) semaphore(%arg8 : memref<!tpu.dma_semaphore, #tpu.memory_space<semaphore_mem>>)
      %add3A_623 = arith.constant 1 : i32
      %add3A_624 = arith.addi %mul3A_488, %add3A_623 : i32
      %dma_wait3A_625 = arith.constant 0 : i32
      %dma_wait3A_626 = arith.constant 0 : i32
      %dma_wait3A_627 = arith.constant 0 : i32
      %dma_wait3A_628 = tpu.memref_slice %arg7[%dma_wait3A_625, %dma_wait3A_626, %dma_wait3A_627] : memref<4x128x64xf32, #tpu.memory_space<vmem>> -> memref<1x128x64xf32, #tpu.memory_space<vmem>>
      %dma_wait3A_629 = tpu.memref_squeeze %dma_wait3A_628 : memref<1x128x64xf32, #tpu.memory_space<vmem>> -> memref<128x64xf32, #tpu.memory_space<vmem>>
      %dma_wait3A_630 = arith.constant 0 : i32
      %dma_wait3A_631 = arith.constant 0 : i32
      %dma_wait3A_632 = tpu.memref_slice %arg2[%dma_wait3A_630, %dma_wait3A_631] : memref<1000000x64xf32, #tpu.memory_space<hbm>> -> memref<128x64xf32, #tpu.memory_space<hbm>>
      %dma_wait3A_633 = arith.constant 0 : i32
      %dma_wait3A_634 = arith.constant 0 : i32
      %dma_wait3A_635 = tpu.memref_slice %arg7[%dma_wait3A_625, %dma_wait3A_633, %dma_wait3A_634] : memref<4x128x64xf32, #tpu.memory_space<vmem>> -> memref<1x128x64xf32, #tpu.memory_space<vmem>>
      %dma_wait3A_636 = tpu.memref_squeeze %dma_wait3A_635 : memref<1x128x64xf32, #tpu.memory_space<vmem>> -> memref<128x64xf32, #tpu.memory_space<vmem>>
      %dma_wait3A_637 = arith.constant 0 : i32
      %dma_wait3A_638 = arith.constant 0 : i32
      %dma_wait3A_639 = tpu.memref_slice %arg2[%dma_wait3A_637, %dma_wait3A_638] : memref<1000000x64xf32, #tpu.memory_space<hbm>> -> memref<128x64xf32, #tpu.memory_space<hbm>>
      tpu.wait_dma2 semaphore(%arg9 : memref<!tpu.dma_semaphore, #tpu.memory_space<semaphore_mem>>) src(%dma_wait3A_639 : memref<128x64xf32, #tpu.memory_space<hbm>>) dst(%dma_wait3A_636 : memref<128x64xf32, #tpu.memory_space<vmem>>)
      %dma_wait3A_640 = arith.constant 1 : i32
      %dma_wait3A_641 = arith.constant 0 : i32
      %dma_wait3A_642 = arith.constant 0 : i32
      %dma_wait3A_643 = tpu.memref_slice %arg7[%dma_wait3A_640, %dma_wait3A_641, %dma_wait3A_642] : memref<4x128x64xf32, #tpu.memory_space<vmem>> -> memref<1x128x64xf32, #tpu.memory_space<vmem>>
      %dma_wait3A_644 = tpu.memref_squeeze %dma_wait3A_643 : memref<1x128x64xf32, #tpu.memory_space<vmem>> -> memref<128x64xf32, #tpu.memory_space<vmem>>
      %dma_wait3A_645 = arith.constant 0 : i32
      %dma_wait3A_646 = arith.constant 0 : i32
      %dma_wait3A_647 = tpu.memref_slice %arg2[%dma_wait3A_645, %dma_wait3A_646] : memref<1000000x64xf32, #tpu.memory_space<hbm>> -> memref<128x64xf32, #tpu.memory_space<hbm>>
      %dma_wait3A_648 = arith.constant 0 : i32
      %dma_wait3A_649 = arith.constant 0 : i32
      %dma_wait3A_650 = tpu.memref_slice %arg7[%dma_wait3A_640, %dma_wait3A_648, %dma_wait3A_649] : memref<4x128x64xf32, #tpu.memory_space<vmem>> -> memref<1x128x64xf32, #tpu.memory_space<vmem>>
      %dma_wait3A_651 = tpu.memref_squeeze %dma_wait3A_650 : memref<1x128x64xf32, #tpu.memory_space<vmem>> -> memref<128x64xf32, #tpu.memory_space<vmem>>
      %dma_wait3A_652 = arith.constant 0 : i32
      %dma_wait3A_653 = arith.constant 0 : i32
      %dma_wait3A_654 = tpu.memref_slice %arg2[%dma_wait3A_652, %dma_wait3A_653] : memref<1000000x64xf32, #tpu.memory_space<hbm>> -> memref<128x64xf32, #tpu.memory_space<hbm>>
      tpu.wait_dma2 semaphore(%arg9 : memref<!tpu.dma_semaphore, #tpu.memory_space<semaphore_mem>>) src(%dma_wait3A_654 : memref<128x64xf32, #tpu.memory_space<hbm>>) dst(%dma_wait3A_651 : memref<128x64xf32, #tpu.memory_space<vmem>>)
      %dma_wait3A_655 = arith.constant 2 : i32
      %dma_wait3A_656 = arith.constant 0 : i32
      %dma_wait3A_657 = arith.constant 0 : i32
      %dma_wait3A_658 = tpu.memref_slice %arg7[%dma_wait3A_655, %dma_wait3A_656, %dma_wait3A_657] : memref<4x128x64xf32, #tpu.memory_space<vmem>> -> memref<1x128x64xf32, #tpu.memory_space<vmem>>
      %dma_wait3A_659 = tpu.memref_squeeze %dma_wait3A_658 : memref<1x128x64xf32, #tpu.memory_space<vmem>> -> memref<128x64xf32, #tpu.memory_space<vmem>>
      %dma_wait3A_660 = arith.constant 0 : i32
      %dma_wait3A_661 = arith.constant 0 : i32
      %dma_wait3A_662 = tpu.memref_slice %arg2[%dma_wait3A_660, %dma_wait3A_661] : memref<1000000x64xf32, #tpu.memory_space<hbm>> -> memref<128x64xf32, #tpu.memory_space<hbm>>
      %dma_wait3A_663 = arith.constant 0 : i32
      %dma_wait3A_664 = arith.constant 0 : i32
      %dma_wait3A_665 = tpu.memref_slice %arg7[%dma_wait3A_655, %dma_wait3A_663, %dma_wait3A_664] : memref<4x128x64xf32, #tpu.memory_space<vmem>> -> memref<1x128x64xf32, #tpu.memory_space<vmem>>
      %dma_wait3A_666 = tpu.memref_squeeze %dma_wait3A_665 : memref<1x128x64xf32, #tpu.memory_space<vmem>> -> memref<128x64xf32, #tpu.memory_space<vmem>>
      %dma_wait3A_667 = arith.constant 0 : i32
      %dma_wait3A_668 = arith.constant 0 : i32
      %dma_wait3A_669 = tpu.memref_slice %arg2[%dma_wait3A_667, %dma_wait3A_668] : memref<1000000x64xf32, #tpu.memory_space<hbm>> -> memref<128x64xf32, #tpu.memory_space<hbm>>
      tpu.wait_dma2 semaphore(%arg9 : memref<!tpu.dma_semaphore, #tpu.memory_space<semaphore_mem>>) src(%dma_wait3A_669 : memref<128x64xf32, #tpu.memory_space<hbm>>) dst(%dma_wait3A_666 : memref<128x64xf32, #tpu.memory_space<vmem>>)
      %dma_wait3A_670 = arith.constant 3 : i32
      %dma_wait3A_671 = arith.constant 0 : i32
      %dma_wait3A_672 = arith.constant 0 : i32
      %dma_wait3A_673 = tpu.memref_slice %arg7[%dma_wait3A_670, %dma_wait3A_671, %dma_wait3A_672] : memref<4x128x64xf32, #tpu.memory_space<vmem>> -> memref<1x128x64xf32, #tpu.memory_space<vmem>>
      %dma_wait3A_674 = tpu.memref_squeeze %dma_wait3A_673 : memref<1x128x64xf32, #tpu.memory_space<vmem>> -> memref<128x64xf32, #tpu.memory_space<vmem>>
      %dma_wait3A_675 = arith.constant 0 : i32
      %dma_wait3A_676 = arith.constant 0 : i32
      %dma_wait3A_677 = tpu.memref_slice %arg2[%dma_wait3A_675, %dma_wait3A_676] : memref<1000000x64xf32, #tpu.memory_space<hbm>> -> memref<128x64xf32, #tpu.memory_space<hbm>>
      %dma_wait3A_678 = arith.constant 0 : i32
      %dma_wait3A_679 = arith.constant 0 : i32
      %dma_wait3A_680 = tpu.memref_slice %arg7[%dma_wait3A_670, %dma_wait3A_678, %dma_wait3A_679] : memref<4x128x64xf32, #tpu.memory_space<vmem>> -> memref<1x128x64xf32, #tpu.memory_space<vmem>>
      %dma_wait3A_681 = tpu.memref_squeeze %dma_wait3A_680 : memref<1x128x64xf32, #tpu.memory_space<vmem>> -> memref<128x64xf32, #tpu.memory_space<vmem>>
      %dma_wait3A_682 = arith.constant 0 : i32
      %dma_wait3A_683 = arith.constant 0 : i32
      %dma_wait3A_684 = tpu.memref_slice %arg2[%dma_wait3A_682, %dma_wait3A_683] : memref<1000000x64xf32, #tpu.memory_space<hbm>> -> memref<128x64xf32, #tpu.memory_space<hbm>>
      tpu.wait_dma2 semaphore(%arg9 : memref<!tpu.dma_semaphore, #tpu.memory_space<semaphore_mem>>) src(%dma_wait3A_684 : memref<128x64xf32, #tpu.memory_space<hbm>>) dst(%dma_wait3A_681 : memref<128x64xf32, #tpu.memory_space<vmem>>)
      %mul3A_685 = arith.constant 4 : i32
      %mul3A_686 = arith.muli %add3A_624, %mul3A_685 : i32
      %dma_start3A_687 = arith.constant 0 : i32
      %dma_start3A_688 = tpu.memref_slice %arg4[%mul3A_686, %mul3A_2, %dma_start3A_687] : memref<200x4096x64xf32, #tpu.memory_space<hbm>> -> memref<4x128x64xf32, #tpu.memory_space<hbm>>
      %dma_start3A_689 = arith.constant 0 : i32
      %dma_start3A_690 = tpu.memref_slice %arg4[%mul3A_686, %mul3A_2, %dma_start3A_689] : memref<200x4096x64xf32, #tpu.memory_space<hbm>> -> memref<4x128x64xf32, #tpu.memory_space<hbm>>
      tpu.enqueue_dma source(%arg7 : memref<4x128x64xf32, #tpu.memory_space<vmem>>) target(%dma_start3A_690 : memref<4x128x64xf32, #tpu.memory_space<hbm>>) target_semaphore(%arg11 : memref<!tpu.dma_semaphore, #tpu.memory_space<semaphore_mem>>)
      %dma_wait3A_691 = arith.constant 0 : i32
      %dma_wait3A_692 = arith.constant 0 : i32
      %dma_wait3A_693 = tpu.memref_slice %arg4[%dma_wait3A_691, %mul3A_2, %dma_wait3A_692] : memref<200x4096x64xf32, #tpu.memory_space<hbm>> -> memref<4x128x64xf32, #tpu.memory_space<hbm>>
      %dma_wait3A_694 = arith.constant 0 : i32
      %dma_wait3A_695 = arith.constant 0 : i32
      %dma_wait3A_696 = tpu.memref_slice %arg4[%dma_wait3A_694, %mul3A_2, %dma_wait3A_695] : memref<200x4096x64xf32, #tpu.memory_space<hbm>> -> memref<4x128x64xf32, #tpu.memory_space<hbm>>
      tpu.wait_dma2 semaphore(%arg11 : memref<!tpu.dma_semaphore, #tpu.memory_space<semaphore_mem>>) src(%arg7 : memref<4x128x64xf32, #tpu.memory_space<vmem>>) dst(%dma_wait3A_696 : memref<4x128x64xf32, #tpu.memory_space<hbm>>)
      %add3A_697 = arith.constant 2 : i32
      %add3A_698 = arith.addi %add3A_624, %add3A_697 : i32
      %mul3A_699 = arith.constant 4 : i32
      %mul3A_700 = arith.muli %add3A_698, %mul3A_699 : i32
      %add3A_701 = arith.constant 0 : i32
      %add3A_702 = arith.addi %mul3A_700, %add3A_701 : i32
      %dma_start3A_703 = arith.constant 0 : i32
      %dma_start3A_704 = arith.constant 0 : i32
      %dma_start3A_705 = arith.constant 0 : i32
      %dma_start3A_706 = tpu.memref_slice %arg7[%dma_start3A_703, %dma_start3A_704, %dma_start3A_705] : memref<4x128x64xf32, #tpu.memory_space<vmem>> -> memref<1x128x64xf32, #tpu.memory_space<vmem>>
      %dma_start3A_707 = tpu.memref_squeeze %dma_start3A_706 : memref<1x128x64xf32, #tpu.memory_space<vmem>> -> memref<128x64xf32, #tpu.memory_space<vmem>>
      %dma_start3A_708 = arith.constant 0 : i32
      %dma_start3A_709 = tpu.memref_slice %arg5[%add3A_702, %dma_start3A_708] : memref<200x128xi32, #tpu.memory_space<vmem>> -> memref<1x128xi32, #tpu.memory_space<vmem>>
      %dma_start3A_710 = tpu.memref_squeeze %dma_start3A_709 : memref<1x128xi32, #tpu.memory_space<vmem>> -> memref<128xi32, #tpu.memory_space<vmem>>
      %dma_start3A_711 = arith.constant 0 : i32
      %dma_start3A_712 = arith.constant 0 : i32
      %dma_start3A_713 = tpu.memref_slice %arg2[%dma_start3A_711, %dma_start3A_712] : memref<1000000x64xf32, #tpu.memory_space<hbm>> -> memref<1000000x64xf32, #tpu.memory_space<hbm>>
      tpu.enqueue_indirect_dma source(%dma_start3A_713 : memref<1000000x64xf32, #tpu.memory_space<hbm>>) target(%dma_start3A_707 : memref<128x64xf32, #tpu.memory_space<vmem>>) offsets(%dma_start3A_710 : memref<128xi32, #tpu.memory_space<vmem>>) semaphore(%arg9 : memref<!tpu.dma_semaphore, #tpu.memory_space<semaphore_mem>>)
      %mul3A_714 = arith.constant 4 : i32
      %mul3A_715 = arith.muli %add3A_698, %mul3A_714 : i32
      %add3A_716 = arith.constant 1 : i32
      %add3A_717 = arith.addi %mul3A_715, %add3A_716 : i32
      %dma_start3A_718 = arith.constant 1 : i32
      %dma_start3A_719 = arith.constant 0 : i32
      %dma_start3A_720 = arith.constant 0 : i32
      %dma_start3A_721 = tpu.memref_slice %arg7[%dma_start3A_718, %dma_start3A_719, %dma_start3A_720] : memref<4x128x64xf32, #tpu.memory_space<vmem>> -> memref<1x128x64xf32, #tpu.memory_space<vmem>>
      %dma_start3A_722 = tpu.memref_squeeze %dma_start3A_721 : memref<1x128x64xf32, #tpu.memory_space<vmem>> -> memref<128x64xf32, #tpu.memory_space<vmem>>
      %dma_start3A_723 = arith.constant 0 : i32
      %dma_start3A_724 = tpu.memref_slice %arg5[%add3A_717, %dma_start3A_723] : memref<200x128xi32, #tpu.memory_space<vmem>> -> memref<1x128xi32, #tpu.memory_space<vmem>>
      %dma_start3A_725 = tpu.memref_squeeze %dma_start3A_724 : memref<1x128xi32, #tpu.memory_space<vmem>> -> memref<128xi32, #tpu.memory_space<vmem>>
      %dma_start3A_726 = arith.constant 0 : i32
      %dma_start3A_727 = arith.constant 0 : i32
      %dma_start3A_728 = tpu.memref_slice %arg2[%dma_start3A_726, %dma_start3A_727] : memref<1000000x64xf32, #tpu.memory_space<hbm>> -> memref<1000000x64xf32, #tpu.memory_space<hbm>>
      tpu.enqueue_indirect_dma source(%dma_start3A_728 : memref<1000000x64xf32, #tpu.memory_space<hbm>>) target(%dma_start3A_722 : memref<128x64xf32, #tpu.memory_space<vmem>>) offsets(%dma_start3A_725 : memref<128xi32, #tpu.memory_space<vmem>>) semaphore(%arg9 : memref<!tpu.dma_semaphore, #tpu.memory_space<semaphore_mem>>)
      %mul3A_729 = arith.constant 4 : i32
      %mul3A_730 = arith.muli %add3A_698, %mul3A_729 : i32
      %add3A_731 = arith.constant 2 : i32
      %add3A_732 = arith.addi %mul3A_730, %add3A_731 : i32
      %dma_start3A_733 = arith.constant 2 : i32
      %dma_start3A_734 = arith.constant 0 : i32
      %dma_start3A_735 = arith.constant 0 : i32
      %dma_start3A_736 = tpu.memref_slice %arg7[%dma_start3A_733, %dma_start3A_734, %dma_start3A_735] : memref<4x128x64xf32, #tpu.memory_space<vmem>> -> memref<1x128x64xf32, #tpu.memory_space<vmem>>
      %dma_start3A_737 = tpu.memref_squeeze %dma_start3A_736 : memref<1x128x64xf32, #tpu.memory_space<vmem>> -> memref<128x64xf32, #tpu.memory_space<vmem>>
      %dma_start3A_738 = arith.constant 0 : i32
      %dma_start3A_739 = tpu.memref_slice %arg5[%add3A_732, %dma_start3A_738] : memref<200x128xi32, #tpu.memory_space<vmem>> -> memref<1x128xi32, #tpu.memory_space<vmem>>
      %dma_start3A_740 = tpu.memref_squeeze %dma_start3A_739 : memref<1x128xi32, #tpu.memory_space<vmem>> -> memref<128xi32, #tpu.memory_space<vmem>>
      %dma_start3A_741 = arith.constant 0 : i32
      %dma_start3A_742 = arith.constant 0 : i32
      %dma_start3A_743 = tpu.memref_slice %arg2[%dma_start3A_741, %dma_start3A_742] : memref<1000000x64xf32, #tpu.memory_space<hbm>> -> memref<1000000x64xf32, #tpu.memory_space<hbm>>
      tpu.enqueue_indirect_dma source(%dma_start3A_743 : memref<1000000x64xf32, #tpu.memory_space<hbm>>) target(%dma_start3A_737 : memref<128x64xf32, #tpu.memory_space<vmem>>) offsets(%dma_start3A_740 : memref<128xi32, #tpu.memory_space<vmem>>) semaphore(%arg9 : memref<!tpu.dma_semaphore, #tpu.memory_space<semaphore_mem>>)
      %mul3A_744 = arith.constant 4 : i32
      %mul3A_745 = arith.muli %add3A_698, %mul3A_744 : i32
      %add3A_746 = arith.constant 3 : i32
      %add3A_747 = arith.addi %mul3A_745, %add3A_746 : i32
      %dma_start3A_748 = arith.constant 3 : i32
      %dma_start3A_749 = arith.constant 0 : i32
      %dma_start3A_750 = arith.constant 0 : i32
      %dma_start3A_751 = tpu.memref_slice %arg7[%dma_start3A_748, %dma_start3A_749, %dma_start3A_750] : memref<4x128x64xf32, #tpu.memory_space<vmem>> -> memref<1x128x64xf32, #tpu.memory_space<vmem>>
      %dma_start3A_752 = tpu.memref_squeeze %dma_start3A_751 : memref<1x128x64xf32, #tpu.memory_space<vmem>> -> memref<128x64xf32, #tpu.memory_space<vmem>>
      %dma_start3A_753 = arith.constant 0 : i32
      %dma_start3A_754 = tpu.memref_slice %arg5[%add3A_747, %dma_start3A_753] : memref<200x128xi32, #tpu.memory_space<vmem>> -> memref<1x128xi32, #tpu.memory_space<vmem>>
      %dma_start3A_755 = tpu.memref_squeeze %dma_start3A_754 : memref<1x128xi32, #tpu.memory_space<vmem>> -> memref<128xi32, #tpu.memory_space<vmem>>
      %dma_start3A_756 = arith.constant 0 : i32
      %dma_start3A_757 = arith.constant 0 : i32
      %dma_start3A_758 = tpu.memref_slice %arg2[%dma_start3A_756, %dma_start3A_757] : memref<1000000x64xf32, #tpu.memory_space<hbm>> -> memref<1000000x64xf32, #tpu.memory_space<hbm>>
      tpu.enqueue_indirect_dma source(%dma_start3A_758 : memref<1000000x64xf32, #tpu.memory_space<hbm>>) target(%dma_start3A_752 : memref<128x64xf32, #tpu.memory_space<vmem>>) offsets(%dma_start3A_755 : memref<128xi32, #tpu.memory_space<vmem>>) semaphore(%arg9 : memref<!tpu.dma_semaphore, #tpu.memory_space<semaphore_mem>>)
    }
    %scan3A_341 = arith.constant 23 : i32
    %dma_wait3A_342 = arith.constant 0 : i32
    %dma_wait3A_343 = arith.constant 0 : i32
    %dma_wait3A_344 = arith.constant 0 : i32
    %dma_wait3A_345 = tpu.memref_slice %arg6[%dma_wait3A_342, %dma_wait3A_343, %dma_wait3A_344] : memref<4x128x64xf32, #tpu.memory_space<vmem>> -> memref<1x128x64xf32, #tpu.memory_space<vmem>>
    %dma_wait3A_346 = tpu.memref_squeeze %dma_wait3A_345 : memref<1x128x64xf32, #tpu.memory_space<vmem>> -> memref<128x64xf32, #tpu.memory_space<vmem>>
    %dma_wait3A_347 = arith.constant 0 : i32
    %dma_wait3A_348 = arith.constant 0 : i32
    %dma_wait3A_349 = tpu.memref_slice %arg2[%dma_wait3A_347, %dma_wait3A_348] : memref<1000000x64xf32, #tpu.memory_space<hbm>> -> memref<128x64xf32, #tpu.memory_space<hbm>>
    %dma_wait3A_350 = arith.constant 0 : i32
    %dma_wait3A_351 = arith.constant 0 : i32
    %dma_wait3A_352 = tpu.memref_slice %arg6[%dma_wait3A_342, %dma_wait3A_350, %dma_wait3A_351] : memref<4x128x64xf32, #tpu.memory_space<vmem>> -> memref<1x128x64xf32, #tpu.memory_space<vmem>>
    %dma_wait3A_353 = tpu.memref_squeeze %dma_wait3A_352 : memref<1x128x64xf32, #tpu.memory_space<vmem>> -> memref<128x64xf32, #tpu.memory_space<vmem>>
    %dma_wait3A_354 = arith.constant 0 : i32
    %dma_wait3A_355 = arith.constant 0 : i32
    %dma_wait3A_356 = tpu.memref_slice %arg2[%dma_wait3A_354, %dma_wait3A_355] : memref<1000000x64xf32, #tpu.memory_space<hbm>> -> memref<128x64xf32, #tpu.memory_space<hbm>>
    tpu.wait_dma2 semaphore(%arg8 : memref<!tpu.dma_semaphore, #tpu.memory_space<semaphore_mem>>) src(%dma_wait3A_356 : memref<128x64xf32, #tpu.memory_space<hbm>>) dst(%dma_wait3A_353 : memref<128x64xf32, #tpu.memory_space<vmem>>)
    %dma_wait3A_357 = arith.constant 1 : i32
    %dma_wait3A_358 = arith.constant 0 : i32
    %dma_wait3A_359 = arith.constant 0 : i32
    %dma_wait3A_360 = tpu.memref_slice %arg6[%dma_wait3A_357, %dma_wait3A_358, %dma_wait3A_359] : memref<4x128x64xf32, #tpu.memory_space<vmem>> -> memref<1x128x64xf32, #tpu.memory_space<vmem>>
    %dma_wait3A_361 = tpu.memref_squeeze %dma_wait3A_360 : memref<1x128x64xf32, #tpu.memory_space<vmem>> -> memref<128x64xf32, #tpu.memory_space<vmem>>
    %dma_wait3A_362 = arith.constant 0 : i32
    %dma_wait3A_363 = arith.constant 0 : i32
    %dma_wait3A_364 = tpu.memref_slice %arg2[%dma_wait3A_362, %dma_wait3A_363] : memref<1000000x64xf32, #tpu.memory_space<hbm>> -> memref<128x64xf32, #tpu.memory_space<hbm>>
    %dma_wait3A_365 = arith.constant 0 : i32
    %dma_wait3A_366 = arith.constant 0 : i32
    %dma_wait3A_367 = tpu.memref_slice %arg6[%dma_wait3A_357, %dma_wait3A_365, %dma_wait3A_366] : memref<4x128x64xf32, #tpu.memory_space<vmem>> -> memref<1x128x64xf32, #tpu.memory_space<vmem>>
    %dma_wait3A_368 = tpu.memref_squeeze %dma_wait3A_367 : memref<1x128x64xf32, #tpu.memory_space<vmem>> -> memref<128x64xf32, #tpu.memory_space<vmem>>
    %dma_wait3A_369 = arith.constant 0 : i32
    %dma_wait3A_370 = arith.constant 0 : i32
    %dma_wait3A_371 = tpu.memref_slice %arg2[%dma_wait3A_369, %dma_wait3A_370] : memref<1000000x64xf32, #tpu.memory_space<hbm>> -> memref<128x64xf32, #tpu.memory_space<hbm>>
    tpu.wait_dma2 semaphore(%arg8 : memref<!tpu.dma_semaphore, #tpu.memory_space<semaphore_mem>>) src(%dma_wait3A_371 : memref<128x64xf32, #tpu.memory_space<hbm>>) dst(%dma_wait3A_368 : memref<128x64xf32, #tpu.memory_space<vmem>>)
    %dma_wait3A_372 = arith.constant 2 : i32
    %dma_wait3A_373 = arith.constant 0 : i32
    %dma_wait3A_374 = arith.constant 0 : i32
    %dma_wait3A_375 = tpu.memref_slice %arg6[%dma_wait3A_372, %dma_wait3A_373, %dma_wait3A_374] : memref<4x128x64xf32, #tpu.memory_space<vmem>> -> memref<1x128x64xf32, #tpu.memory_space<vmem>>
    %dma_wait3A_376 = tpu.memref_squeeze %dma_wait3A_375 : memref<1x128x64xf32, #tpu.memory_space<vmem>> -> memref<128x64xf32, #tpu.memory_space<vmem>>
    %dma_wait3A_377 = arith.constant 0 : i32
    %dma_wait3A_378 = arith.constant 0 : i32
    %dma_wait3A_379 = tpu.memref_slice %arg2[%dma_wait3A_377, %dma_wait3A_378] : memref<1000000x64xf32, #tpu.memory_space<hbm>> -> memref<128x64xf32, #tpu.memory_space<hbm>>
    %dma_wait3A_380 = arith.constant 0 : i32
    %dma_wait3A_381 = arith.constant 0 : i32
    %dma_wait3A_382 = tpu.memref_slice %arg6[%dma_wait3A_372, %dma_wait3A_380, %dma_wait3A_381] : memref<4x128x64xf32, #tpu.memory_space<vmem>> -> memref<1x128x64xf32, #tpu.memory_space<vmem>>
    %dma_wait3A_383 = tpu.memref_squeeze %dma_wait3A_382 : memref<1x128x64xf32, #tpu.memory_space<vmem>> -> memref<128x64xf32, #tpu.memory_space<vmem>>
    %dma_wait3A_384 = arith.constant 0 : i32
    %dma_wait3A_385 = arith.constant 0 : i32
    %dma_wait3A_386 = tpu.memref_slice %arg2[%dma_wait3A_384, %dma_wait3A_385] : memref<1000000x64xf32, #tpu.memory_space<hbm>> -> memref<128x64xf32, #tpu.memory_space<hbm>>
    tpu.wait_dma2 semaphore(%arg8 : memref<!tpu.dma_semaphore, #tpu.memory_space<semaphore_mem>>) src(%dma_wait3A_386 : memref<128x64xf32, #tpu.memory_space<hbm>>) dst(%dma_wait3A_383 : memref<128x64xf32, #tpu.memory_space<vmem>>)
    %dma_wait3A_387 = arith.constant 3 : i32
    %dma_wait3A_388 = arith.constant 0 : i32
    %dma_wait3A_389 = arith.constant 0 : i32
    %dma_wait3A_390 = tpu.memref_slice %arg6[%dma_wait3A_387, %dma_wait3A_388, %dma_wait3A_389] : memref<4x128x64xf32, #tpu.memory_space<vmem>> -> memref<1x128x64xf32, #tpu.memory_space<vmem>>
    %dma_wait3A_391 = tpu.memref_squeeze %dma_wait3A_390 : memref<1x128x64xf32, #tpu.memory_space<vmem>> -> memref<128x64xf32, #tpu.memory_space<vmem>>
    %dma_wait3A_392 = arith.constant 0 : i32
    %dma_wait3A_393 = arith.constant 0 : i32
    %dma_wait3A_394 = tpu.memref_slice %arg2[%dma_wait3A_392, %dma_wait3A_393] : memref<1000000x64xf32, #tpu.memory_space<hbm>> -> memref<128x64xf32, #tpu.memory_space<hbm>>
    %dma_wait3A_395 = arith.constant 0 : i32
    %dma_wait3A_396 = arith.constant 0 : i32
    %dma_wait3A_397 = tpu.memref_slice %arg6[%dma_wait3A_387, %dma_wait3A_395, %dma_wait3A_396] : memref<4x128x64xf32, #tpu.memory_space<vmem>> -> memref<1x128x64xf32, #tpu.memory_space<vmem>>
    %dma_wait3A_398 = tpu.memref_squeeze %dma_wait3A_397 : memref<1x128x64xf32, #tpu.memory_space<vmem>> -> memref<128x64xf32, #tpu.memory_space<vmem>>
    %dma_wait3A_399 = arith.constant 0 : i32
    %dma_wait3A_400 = arith.constant 0 : i32
    %dma_wait3A_401 = tpu.memref_slice %arg2[%dma_wait3A_399, %dma_wait3A_400] : memref<1000000x64xf32, #tpu.memory_space<hbm>> -> memref<128x64xf32, #tpu.memory_space<hbm>>
    tpu.wait_dma2 semaphore(%arg8 : memref<!tpu.dma_semaphore, #tpu.memory_space<semaphore_mem>>) src(%dma_wait3A_401 : memref<128x64xf32, #tpu.memory_space<hbm>>) dst(%dma_wait3A_398 : memref<128x64xf32, #tpu.memory_space<vmem>>)
    %dma_start3A_402 = arith.constant 192 : i32
    %dma_start3A_403 = arith.constant 0 : i32
    %dma_start3A_404 = tpu.memref_slice %arg4[%dma_start3A_402, %mul3A_2, %dma_start3A_403] : memref<200x4096x64xf32, #tpu.memory_space<hbm>> -> memref<4x128x64xf32, #tpu.memory_space<hbm>>
    %dma_start3A_405 = arith.constant 192 : i32
    %dma_start3A_406 = arith.constant 0 : i32
    %dma_start3A_407 = tpu.memref_slice %arg4[%dma_start3A_405, %mul3A_2, %dma_start3A_406] : memref<200x4096x64xf32, #tpu.memory_space<hbm>> -> memref<4x128x64xf32, #tpu.memory_space<hbm>>
    tpu.enqueue_dma source(%arg6 : memref<4x128x64xf32, #tpu.memory_space<vmem>>) target(%dma_start3A_407 : memref<4x128x64xf32, #tpu.memory_space<hbm>>) target_semaphore(%arg10 : memref<!tpu.dma_semaphore, #tpu.memory_space<semaphore_mem>>)
    %dma_wait3A_408 = arith.constant 0 : i32
    %dma_wait3A_409 = arith.constant 0 : i32
    %dma_wait3A_410 = arith.constant 0 : i32
    %dma_wait3A_411 = tpu.memref_slice %arg7[%dma_wait3A_408, %dma_wait3A_409, %dma_wait3A_410] : memref<4x128x64xf32, #tpu.memory_space<vmem>> -> memref<1x128x64xf32, #tpu.memory_space<vmem>>
    %dma_wait3A_412 = tpu.memref_squeeze %dma_wait3A_411 : memref<1x128x64xf32, #tpu.memory_space<vmem>> -> memref<128x64xf32, #tpu.memory_space<vmem>>
    %dma_wait3A_413 = arith.constant 0 : i32
    %dma_wait3A_414 = arith.constant 0 : i32
    %dma_wait3A_415 = tpu.memref_slice %arg2[%dma_wait3A_413, %dma_wait3A_414] : memref<1000000x64xf32, #tpu.memory_space<hbm>> -> memref<128x64xf32, #tpu.memory_space<hbm>>
    %dma_wait3A_416 = arith.constant 0 : i32
    %dma_wait3A_417 = arith.constant 0 : i32
    %dma_wait3A_418 = tpu.memref_slice %arg7[%dma_wait3A_408, %dma_wait3A_416, %dma_wait3A_417] : memref<4x128x64xf32, #tpu.memory_space<vmem>> -> memref<1x128x64xf32, #tpu.memory_space<vmem>>
    %dma_wait3A_419 = tpu.memref_squeeze %dma_wait3A_418 : memref<1x128x64xf32, #tpu.memory_space<vmem>> -> memref<128x64xf32, #tpu.memory_space<vmem>>
    %dma_wait3A_420 = arith.constant 0 : i32
    %dma_wait3A_421 = arith.constant 0 : i32
    %dma_wait3A_422 = tpu.memref_slice %arg2[%dma_wait3A_420, %dma_wait3A_421] : memref<1000000x64xf32, #tpu.memory_space<hbm>> -> memref<128x64xf32, #tpu.memory_space<hbm>>
    tpu.wait_dma2 semaphore(%arg9 : memref<!tpu.dma_semaphore, #tpu.memory_space<semaphore_mem>>) src(%dma_wait3A_422 : memref<128x64xf32, #tpu.memory_space<hbm>>) dst(%dma_wait3A_419 : memref<128x64xf32, #tpu.memory_space<vmem>>)
    %dma_wait3A_423 = arith.constant 1 : i32
    %dma_wait3A_424 = arith.constant 0 : i32
    %dma_wait3A_425 = arith.constant 0 : i32
    %dma_wait3A_426 = tpu.memref_slice %arg7[%dma_wait3A_423, %dma_wait3A_424, %dma_wait3A_425] : memref<4x128x64xf32, #tpu.memory_space<vmem>> -> memref<1x128x64xf32, #tpu.memory_space<vmem>>
    %dma_wait3A_427 = tpu.memref_squeeze %dma_wait3A_426 : memref<1x128x64xf32, #tpu.memory_space<vmem>> -> memref<128x64xf32, #tpu.memory_space<vmem>>
    %dma_wait3A_428 = arith.constant 0 : i32
    %dma_wait3A_429 = arith.constant 0 : i32
    %dma_wait3A_430 = tpu.memref_slice %arg2[%dma_wait3A_428, %dma_wait3A_429] : memref<1000000x64xf32, #tpu.memory_space<hbm>> -> memref<128x64xf32, #tpu.memory_space<hbm>>
    %dma_wait3A_431 = arith.constant 0 : i32
    %dma_wait3A_432 = arith.constant 0 : i32
    %dma_wait3A_433 = tpu.memref_slice %arg7[%dma_wait3A_423, %dma_wait3A_431, %dma_wait3A_432] : memref<4x128x64xf32, #tpu.memory_space<vmem>> -> memref<1x128x64xf32, #tpu.memory_space<vmem>>
    %dma_wait3A_434 = tpu.memref_squeeze %dma_wait3A_433 : memref<1x128x64xf32, #tpu.memory_space<vmem>> -> memref<128x64xf32, #tpu.memory_space<vmem>>
    %dma_wait3A_435 = arith.constant 0 : i32
    %dma_wait3A_436 = arith.constant 0 : i32
    %dma_wait3A_437 = tpu.memref_slice %arg2[%dma_wait3A_435, %dma_wait3A_436] : memref<1000000x64xf32, #tpu.memory_space<hbm>> -> memref<128x64xf32, #tpu.memory_space<hbm>>
    tpu.wait_dma2 semaphore(%arg9 : memref<!tpu.dma_semaphore, #tpu.memory_space<semaphore_mem>>) src(%dma_wait3A_437 : memref<128x64xf32, #tpu.memory_space<hbm>>) dst(%dma_wait3A_434 : memref<128x64xf32, #tpu.memory_space<vmem>>)
    %dma_wait3A_438 = arith.constant 2 : i32
    %dma_wait3A_439 = arith.constant 0 : i32
    %dma_wait3A_440 = arith.constant 0 : i32
    %dma_wait3A_441 = tpu.memref_slice %arg7[%dma_wait3A_438, %dma_wait3A_439, %dma_wait3A_440] : memref<4x128x64xf32, #tpu.memory_space<vmem>> -> memref<1x128x64xf32, #tpu.memory_space<vmem>>
    %dma_wait3A_442 = tpu.memref_squeeze %dma_wait3A_441 : memref<1x128x64xf32, #tpu.memory_space<vmem>> -> memref<128x64xf32, #tpu.memory_space<vmem>>
    %dma_wait3A_443 = arith.constant 0 : i32
    %dma_wait3A_444 = arith.constant 0 : i32
    %dma_wait3A_445 = tpu.memref_slice %arg2[%dma_wait3A_443, %dma_wait3A_444] : memref<1000000x64xf32, #tpu.memory_space<hbm>> -> memref<128x64xf32, #tpu.memory_space<hbm>>
    %dma_wait3A_446 = arith.constant 0 : i32
    %dma_wait3A_447 = arith.constant 0 : i32
    %dma_wait3A_448 = tpu.memref_slice %arg7[%dma_wait3A_438, %dma_wait3A_446, %dma_wait3A_447] : memref<4x128x64xf32, #tpu.memory_space<vmem>> -> memref<1x128x64xf32, #tpu.memory_space<vmem>>
    %dma_wait3A_449 = tpu.memref_squeeze %dma_wait3A_448 : memref<1x128x64xf32, #tpu.memory_space<vmem>> -> memref<128x64xf32, #tpu.memory_space<vmem>>
    %dma_wait3A_450 = arith.constant 0 : i32
    %dma_wait3A_451 = arith.constant 0 : i32
    %dma_wait3A_452 = tpu.memref_slice %arg2[%dma_wait3A_450, %dma_wait3A_451] : memref<1000000x64xf32, #tpu.memory_space<hbm>> -> memref<128x64xf32, #tpu.memory_space<hbm>>
    tpu.wait_dma2 semaphore(%arg9 : memref<!tpu.dma_semaphore, #tpu.memory_space<semaphore_mem>>) src(%dma_wait3A_452 : memref<128x64xf32, #tpu.memory_space<hbm>>) dst(%dma_wait3A_449 : memref<128x64xf32, #tpu.memory_space<vmem>>)
    %dma_wait3A_453 = arith.constant 3 : i32
    %dma_wait3A_454 = arith.constant 0 : i32
    %dma_wait3A_455 = arith.constant 0 : i32
    %dma_wait3A_456 = tpu.memref_slice %arg7[%dma_wait3A_453, %dma_wait3A_454, %dma_wait3A_455] : memref<4x128x64xf32, #tpu.memory_space<vmem>> -> memref<1x128x64xf32, #tpu.memory_space<vmem>>
    %dma_wait3A_457 = tpu.memref_squeeze %dma_wait3A_456 : memref<1x128x64xf32, #tpu.memory_space<vmem>> -> memref<128x64xf32, #tpu.memory_space<vmem>>
    %dma_wait3A_458 = arith.constant 0 : i32
    %dma_wait3A_459 = arith.constant 0 : i32
    %dma_wait3A_460 = tpu.memref_slice %arg2[%dma_wait3A_458, %dma_wait3A_459] : memref<1000000x64xf32, #tpu.memory_space<hbm>> -> memref<128x64xf32, #tpu.memory_space<hbm>>
    %dma_wait3A_461 = arith.constant 0 : i32
    %dma_wait3A_462 = arith.constant 0 : i32
    %dma_wait3A_463 = tpu.memref_slice %arg7[%dma_wait3A_453, %dma_wait3A_461, %dma_wait3A_462] : memref<4x128x64xf32, #tpu.memory_space<vmem>> -> memref<1x128x64xf32, #tpu.memory_space<vmem>>
    %dma_wait3A_464 = tpu.memref_squeeze %dma_wait3A_463 : memref<1x128x64xf32, #tpu.memory_space<vmem>> -> memref<128x64xf32, #tpu.memory_space<vmem>>
    %dma_wait3A_465 = arith.constant 0 : i32
    %dma_wait3A_466 = arith.constant 0 : i32
    %dma_wait3A_467 = tpu.memref_slice %arg2[%dma_wait3A_465, %dma_wait3A_466] : memref<1000000x64xf32, #tpu.memory_space<hbm>> -> memref<128x64xf32, #tpu.memory_space<hbm>>
    tpu.wait_dma2 semaphore(%arg9 : memref<!tpu.dma_semaphore, #tpu.memory_space<semaphore_mem>>) src(%dma_wait3A_467 : memref<128x64xf32, #tpu.memory_space<hbm>>) dst(%dma_wait3A_464 : memref<128x64xf32, #tpu.memory_space<vmem>>)
    %dma_start3A_468 = arith.constant 196 : i32
    %dma_start3A_469 = arith.constant 0 : i32
    %dma_start3A_470 = tpu.memref_slice %arg4[%dma_start3A_468, %mul3A_2, %dma_start3A_469] : memref<200x4096x64xf32, #tpu.memory_space<hbm>> -> memref<4x128x64xf32, #tpu.memory_space<hbm>>
    %dma_start3A_471 = arith.constant 196 : i32
    %dma_start3A_472 = arith.constant 0 : i32
    %dma_start3A_473 = tpu.memref_slice %arg4[%dma_start3A_471, %mul3A_2, %dma_start3A_472] : memref<200x4096x64xf32, #tpu.memory_space<hbm>> -> memref<4x128x64xf32, #tpu.memory_space<hbm>>
    tpu.enqueue_dma source(%arg7 : memref<4x128x64xf32, #tpu.memory_space<vmem>>) target(%dma_start3A_473 : memref<4x128x64xf32, #tpu.memory_space<hbm>>) target_semaphore(%arg11 : memref<!tpu.dma_semaphore, #tpu.memory_space<semaphore_mem>>)
    %dma_wait3A_474 = arith.constant 0 : i32
    %dma_wait3A_475 = arith.constant 0 : i32
    %dma_wait3A_476 = tpu.memref_slice %arg4[%dma_wait3A_474, %mul3A_2, %dma_wait3A_475] : memref<200x4096x64xf32, #tpu.memory_space<hbm>> -> memref<4x128x64xf32, #tpu.memory_space<hbm>>
    %dma_wait3A_477 = arith.constant 0 : i32
    %dma_wait3A_478 = arith.constant 0 : i32
    %dma_wait3A_479 = tpu.memref_slice %arg4[%dma_wait3A_477, %mul3A_2, %dma_wait3A_478] : memref<200x4096x64xf32, #tpu.memory_space<hbm>> -> memref<4x128x64xf32, #tpu.memory_space<hbm>>
    tpu.wait_dma2 semaphore(%arg10 : memref<!tpu.dma_semaphore, #tpu.memory_space<semaphore_mem>>) src(%arg6 : memref<4x128x64xf32, #tpu.memory_space<vmem>>) dst(%dma_wait3A_479 : memref<4x128x64xf32, #tpu.memory_space<hbm>>)
    %dma_wait3A_480 = arith.constant 0 : i32
    %dma_wait3A_481 = arith.constant 0 : i32
    %dma_wait3A_482 = tpu.memref_slice %arg4[%dma_wait3A_480, %mul3A_2, %dma_wait3A_481] : memref<200x4096x64xf32, #tpu.memory_space<hbm>> -> memref<4x128x64xf32, #tpu.memory_space<hbm>>
    %dma_wait3A_483 = arith.constant 0 : i32
    %dma_wait3A_484 = arith.constant 0 : i32
    %dma_wait3A_485 = tpu.memref_slice %arg4[%dma_wait3A_483, %mul3A_2, %dma_wait3A_484] : memref<200x4096x64xf32, #tpu.memory_space<hbm>> -> memref<4x128x64xf32, #tpu.memory_space<hbm>>
    tpu.wait_dma2 semaphore(%arg11 : memref<!tpu.dma_semaphore, #tpu.memory_space<semaphore_mem>>) src(%arg7 : memref<4x128x64xf32, #tpu.memory_space<vmem>>) dst(%dma_wait3A_485 : memref<4x128x64xf32, #tpu.memory_space<hbm>>)
    return
  }
}

</mosaic_0001>

<sc_bundles>
// kernel: kernel.3.cloned.1.call-start
scs
__scs_entry_jumppad:
0x0: {  	(pc) =	sbr.rel $0x88, $3  }
0x1: {  	(tag) =	ssettag $0x0;
	lr =	simm.s32 $0x1  }
0x2: {  	[smem:$0x3F9F] =	sst lr;
	_ =	strace $0xD0000000  }
0x3: {  	_ = 	snop  }
0x4: {  	_ = 	snop  }
0x5: {  	_ = 	snop  }
0x6: {  	_ = 	snop  }
0x7: {  	_ = 	snop  }
__scs_overlays_trampoline_lowered:
0x8: {  	[smem:$0x3FAE] =	sst s0  }
0x9: {  	[smem:$0x3FAF] =	sst s1  }
0xa: {  	[smem:$0x3FB0] =	sst s2  }
0xb: {  	[smem:$0x3FB1] =	sst s3  }
0xc: {  	[smem:$0x3FB2] =	sst s4  }
0xd: {  	[smem:$0x3FB3] =	sst s5  }
0xe: {  	[smem:$0x3FB4] =	sst s6  }
0xf: {  	[smem:$0x3FB5] =	sst s7  }
0x10: {  	[smem:$0x3FB6] =	sst s8  }
0x11: {  	[smem:$0x3FB7] =	sst s9;
	s0 =	simm.s32 @!p0 $0x0  }
0x12: {  	s1 =	sld [smem:$0x3F9D];
	s0 =	simm.s32 @p0 $0x1  }
0x13: {  	[smem:$0x3FB8] =	sst s0;
	s0 =	simm.s32 @!p1 $0x0  }
0x14: {  	s2 =	sld [smem:$0x3F9C];
	s0 =	simm.s32 @p1 $0x1  }
0x15: {  	[smem:$0x3FB9] =	sst s0;
	s0 =	simm.s32 @!p2 $0x0  }
0x16: {  	s3 =	sld [smem:$0x3FDB];
	s0 =	simm.s32 @p2 $0x1  }
0x17: {  	s4 =	simm.s32 $0x1BF5;
	[smem:$0x3FBB] =	sst s0  }
0x18: {  	s0 =	sld [smem:$0x3F9E];
	_ =	swait.ge [sflag:s4], $0x0  }
0x19: {  	s7 =	sld [smem:$0x3F9F]  }
0x1a: {  	s8 =	sadd.s32 $0xFFFFE003, lr  }
0x1b: {  	s9 =	sadd.s32 $0xFFFFFEF7, lr;
	s5 =	simm.s32 $0xFFFFFFFF;
	p2 =	slt.u32 s8, $0xFFFFF086  }
0x1c: {  	p1 =	slt.u32 s9, $0xF7A;
	s5 =	simm.s32 @!p2 $0x0  }
0x1d: {  	s5 =	simm.s32 @p1 $0x1;
	p0 =	seq.s32 s7, s2  }
0x1e: {  	s7 =	smul.u32 @!p0 $0xF7A, s2;
	p2 =	seq.s32 @!p0 s5, $0x0  }
0x1f: {  	s9 =	smul.u32 $0xF7A, s1;
	s8 =	simm.s32 @!p0 $0x1BF5;
	p2 =	por !p2, p0  }
0x20: {  	[sflag:s8] =	ssyncset.s32 @!p0 $0xFFFFF086;
	s6 =	sadd.s32 @!p0 s3, s7;
	s7 =	simm.s32 @!p0 $0x108  }
0x21: {  	s3 =	sadd.s32 s3, s9;
	s6 =	sadd.s32 @!p0 $0x88, s6;
	s7 =	simm.s32 @p2 $0x1082  }
0x22: {  	[simem:s7], [sflag:s8] =	dma.local @!p0 [hbm:s6], $0xF7A  }
0x23: {  	s9 =	sor.u32 $0xD0000000, s2;
	s6 =	simm.s32 $0x108;
	_ =	swait.ge @!p0 [sflag:s8], $0x0  }
0x24: {  	s3 =	sadd.s32 $0x88, s3;
	s6 =	simm.s32 @!p1 $0x1082;
	[sflag:s4] =	ssyncset.s32 $0xFFFFF086  }
0x25: {  	[simem:s6], [sflag:s4] =	dma.local [hbm:s3], $0xF7A  }
0x26: {  	[smem:$0x3F9F] =	sst s1;
	(tag) =	ssettag s2;
	_ =	strace s9  }
0x27: {  	s1 =	sld [smem:$0x3FAF]  }
0x28: {  	s2 =	sld [smem:$0x3FB0]  }
0x29: {  	s4 =	sld [smem:$0x3FB2]  }
0x2a: {  	p0 =	seq.s32 s5, $0x0;
	s5 =	sld [smem:$0x3FB3]  }
0x2b: {  	s6 =	sld [smem:$0x3FB4]  }
0x2c: {  	s7 =	sld [smem:$0x3FB5]  }
0x2d: {  	s3 =	simm.s32 $0x108;
	s8 =	sld [smem:$0x3FB6]  }
0x2e: {  	s3 =	simm.s32 @!p0 $0x1082;
	s9 =	sld [smem:$0x3FB7]  }
0x2f: {  	lr =	sadd.s32 s0, s3;
	s0 =	sld [smem:$0x3FAE]  }
0x30: {  	s3 =	sld [smem:$0x3FB1]  }
0x31: {  	[smem:$0x3FBA] =	sst s10  }
0x32: {  	s10 =	sld [smem:$0x3FB8];
	_ =	sdelay $0x3  }
0x33: {  	p0 =	seq.s32 s10, $0x1;
	s10 =	sld [smem:$0x3FBA];
	_ =	sdelay $0x3  }
0x34: {  	[smem:$0x3FBA] =	sst s10  }
0x35: {  	s10 =	sld [smem:$0x3FB9];
	_ =	sdelay $0x3  }
0x36: {  	p1 =	seq.s32 s10, $0x1;
	s10 =	sld [smem:$0x3FBA];
	_ =	sdelay $0x3  }
0x37: {  	[smem:$0x3FBA] =	sst s10  }
0x38: {  	s10 =	sld [smem:$0x3FBB]  }
0x39: {  	_ = 	snop;
	(pc) =	sbr.ind lr, $3  }
0x3a: {  	_ = 	snop  }
0x3b: {  	_ = 	snop  }
0x3c: {  	p2 =	seq.s32 s10, $0x1;
	s10 =	sld [smem:$0x3FBA]  }
0x3d: {  	_ =	shalt  }
0x3e: {  	_ =	shalt  }
0x3f: {  	_ =	shalt  }
0x40: {  	_ =	shalt  }
0x41: {  	_ =	shalt  }
0x42: {  	_ =	shalt  }
0x43: {  	_ =	shalt  }
0x44: {  	_ =	shalt  }
0x45: {  	_ =	shalt  }
0x46: {  	_ =	shalt  }
0x47: {  	_ =	shalt  }
0x48: {  	_ =	shalt  }
0x49: {  	_ =	shalt  }
0x4a: {  	_ =	shalt  }
0x4b: {  	_ =	shalt  }
0x4c: {  	_ =	shalt  }
0x4d: {  	_ =	shalt  }
0x4e: {  	_ =	shalt  }
0x4f: {  	_ =	shalt  }
0x50: {  	_ =	shalt  }
0x51: {  	_ =	shalt  }
0x52: {  	_ =	shalt  }
0x53: {  	_ =	shalt  }
0x54: {  	_ =	shalt  }
0x55: {  	_ =	shalt  }
0x56: {  	_ =	shalt  }
0x57: {  	_ =	shalt  }
0x58: {  	_ =	shalt  }
0x59: {  	_ =	shalt  }
0x5a: {  	_ =	shalt  }
0x5b: {  	_ =	shalt  }
0x5c: {  	_ =	shalt  }
0x5d: {  	_ =	shalt  }
0x5e: {  	_ =	shalt  }
0x5f: {  	_ =	shalt  }
0x60: {  	_ =	shalt  }
0x61: {  	_ =	shalt  }
0x62: {  	_ =	shalt  }
0x63: {  	_ =	shalt  }
0x64: {  	_ =	shalt  }
0x65: {  	_ =	shalt  }
0x66: {  	_ =	shalt  }
0x67: {  	_ =	shalt  }
0x68: {  	_ =	shalt  }
0x69: {  	_ =	shalt  }
0x6a: {  	_ =	shalt  }
0x6b: {  	_ =	shalt  }
0x6c: {  	_ =	shalt  }
0x6d: {  	_ =	shalt  }
0x6e: {  	_ =	shalt  }
0x6f: {  	_ =	shalt  }
0x70: {  	_ =	shalt  }
0x71: {  	_ =	shalt  }
0x72: {  	_ =	shalt  }
0x73: {  	_ =	shalt  }
0x74: {  	_ =	shalt  }
0x75: {  	_ =	shalt  }
0x76: {  	_ =	shalt  }
0x77: {  	_ =	shalt  }
0x78: {  	_ =	shalt  }
0x79: {  	_ =	shalt  }
0x7a: {  	_ =	shalt  }
0x7b: {  	_ =	shalt  }
0x7c: {  	_ =	shalt  }
0x7d: {  	_ =	shalt  }
0x7e: {  	_ =	shalt  }
0x7f: {  	_ =	shalt  }
0x80: {  	_ =	shalt  }
0x81: {  	_ =	shalt  }
0x82: {  	_ =	shalt  }
0x83: {  	_ =	shalt  }
0x84: {  	_ =	shalt  }
0x85: {  	_ =	shalt  }
0x86: {  	_ =	shalt  }
0x87: {  	_ =	shalt  }
.Lfunc_end0:
.L_simem_size_0:
called_computation.1_lowered:
.L_overlay_start_0:
0x88: {  	s2 =	sld [smem:$0x3FD9]  }
0x89: {  	s3 =	sld [smem:$0x3FFE];
	_ =	sdelay $0x1  }
0x8a: {  	s1 =	srdreg.scid  }
0x8b: {  	s0 =	sand.u32 $0x1, s1  }
0x8c: {  	s17 =	sshll.u32 s0, $0xA;
	s2 =	sadd.s32 s3, s2  }
0x8d: {  	s2 =	sadd.s32 s2, s17  }
0x8e: {  	[smem:$0x3FC6] =	sst s2  }
0x8f: {  	_ = 	snop  }
0x90: {  	s2 =	sld [smem:$0x3FC9]  }
0x91: {  	s18 =	sld [smem:$0x3FD0];
	(tm) =	ssettm $0x1  }
0x92: {  	s4 =	sld [smem:$0x3FFB];
	_ =	sdelay $0x3  }
0x93: {  	_ =	strace s4  }
0x94: {  	s4 =	sld [smem:$0x3FFC];
	_ =	sdelay $0x3  }
0x95: {  	_ =	strace s4  }
0x96: {  	s4 =	sld [smem:$0x3FFD];
	_ =	sdelay $0x3  }
0x97: {  	_ =	strace s4  }
0x98: {  	_ =	strace $0x8FFFFFFF  }
0x99: {  	s19 =	sld [smem:$0x3FDB];
	_ =	sdelay $0x1  }
0x9a: {  	s5 =	simm.s32 $_scs_section_size  }
0x9b: {  	s6 =	simm.s32 $_size__tile_overlayer_lowered;
	s7 =	simm.s32 $_tile_overlayer_lowered  }
0x9c: {  	s22 =	simm.s32 $0x1BFF;
	s21 =	sshll.u32 s7, $0x1;
	s4 =	sadd.s32 s5, s19  }
0x9d: {  	s8 =	simm.s32 $0x0;
	s20 =	sshll.u32 s6, $0x1;
	s6 =	sadd.s32 s21, s4  }
0x9e: {  	[timem:s8], [sflag:s22] =	dma.local [hbm:s6], s20  }
0x9f: {  	_ =	swait.ge [sflag:s22], s20  }
0xa0: {  	s5 =	ssub.s32 $0x0, s20;
	[sflag:s22] =	ssyncset.done $0x0  }
0xa1: {  	[sflag:s22] =	ssyncadd.s32 s5;
	_ =	sdelay $0x1  }
0xa2: {  	s23 =	simm.s32 $0x1B8B  }
0xa3: {  	_ =	swait.ge [sflag:s23], $0x1  }
0xa4: {  	[sflag:s23] =	ssyncset.done $0x0  }
0xa5: {  	s25 =	simm.s32 $0x1B8E;
	s24 =	sld [smem:$0x3FFE];
	[sflag:s23] =	ssyncadd.s32 $0xFFFFFFFF  }
0xa6: {  	s26 =	simm.s32 $execute0_lowered;
	[smem:$0x3FD2] =	sst s25  }
0xa7: {  	s6 =	sshll.u32 s26, $0x1;
	_ =	strace $0x80000046;
	[dreg:$0x1] =	wrdreg $0xFFFFFFFF  }
0xa8: {  	s28 =	simm.s32 $_size_execute0_lowered;
	s4 =	sadd.s32 s4, s6;
	[dreg:$0x0] =	wrdreg $0x0  }
0xa9: {  	s6 =	sshll.u32 s28, $0x1;
	[dreg:$0x2] =	wrdreg s4  }
0xaa: {  	[dreg:$0x3] =	wrdreg s6  }
0xab: {  	[dreg:$0x4] =	wrdreg $0xC0  }
0xac: {  	_ =	task [dreg:s8], $0x5FFFF  }
0xad: {  	[dreg:$0x1] =	wrdreg $0xFFFFFFFF  }
0xae: {  	[dreg:$0x0] =	wrdreg $0x60  }
0xaf: {  	[dreg:$0x2] =	wrdreg s24  }
0xb0: {  	[dreg:$0x3] =	wrdreg s2  }
0xb1: {  	[dreg:$0x4] =	wrdreg s18  }
0xb2: {  	[dreg:$0x5] =	wrdreg $0x9  }
0xb3: {  	_ =	task.clear_ibuf [dreg:s8], $0x6FFFF;
	_ =	strace $0x90000046  }
0xb4: {  	s29 =	simm.s32 $0x9;
	_ =	strace $0x80000048  }
0xb5: {  	_ =	swait.ge [sflag:s29], $0x1  }
0xb6: {  	[sflag:s29] =	ssyncadd.s32 $0xFFFFFFFF  }
0xb7: {  	_ =	strace $0x90000048  }
0xb8: {  	_ =	sfence  }
0xb9: {  	s30 =	sld [smem:$0x0];
	_ =	sdelay $0x2  }
0xba: {  	s31 =	sshll.u32 s1, $0xD;
	s1 =	sshrl.u32 s1, $0x2  }
0xbb: {  	s3 =	sand.u32 $0x4000, s31;
	s1 =	sadd.s32 s1, s30  }
0xbc: {  	s0 =	sor.u32 s3, s0;
	s1 =	sshll.u32 s1, $0x11  }
0xbd: {  	s0 =	sor.u32 s1, s0  }
0xbe: {  	s0 =	sadd.s32 $0x8F2B, s0  }
0xbf: {  	[sflag:s0] =	ssyncadd.remote.s32 $0x1  }
0xc0: {  	_ =	sfence.sel $0xFFFF  }
0xc1: {  	[dreg:$0x0] =	wrdreg $0xFFFFFFFF;
	(pc) =	sbr.abs _section_cstart, $3  }
0xc2: {  	[dreg:$0x1] =	wrdreg $0xFFFFFFFF  }
0xc3: {  	_ =	task.clear_ibuf [dreg:s8], $0x2FFFF;
	_ =	strace $0x9FFFFFFF  }
0xc4: {  	(tm) =	ssettm $0x7FFFFFFF  }
0xc5: {  	_ =	shalt  }
tec
execute0_lowered:
.L_overlay_start_1:
0x0: {  	(tag) =	ssettag $0x1  }
0x1: {  	s0 =	rddreg [dreg:$0x0]  }
0x2: {  	s1 =	rddreg [dreg:$0x1]  }
0x3: {  	s8 =	rddreg [dreg:$0x2];
	s3 =	srdreg.scid;
	s2 =	simm.s32 $0x0  }
0x4: {  	s7 =	stileid.u32;
	s11 =	simm.s32 $0x80;
	s13 =	simm.s32 $0x5  }
0x5: {  	s14 =	simm.s32 $0x6400;
	s15 =	simm.s32 $0x8400;
	s17 =	simm.s32 $0xA400  }
0x6: {  	s19 =	simm.s32 $0xC400;
	s21 =	simm.s32 $0xE400;
	s28 =	simm.s32 $0x14400  }
0x7: {  	s29 =	simm.s32 $0x1;
	s30 =	simm.s32 $0x2000;
	s31 =	simm.s32 $0x40000  }
0x8: {  	s20 =	simm.s32 $0x2;
	s12 =	simm.s32 $0x780;
	s16 =	simm.s32 $0x0  }
0x9: {  	s9 =	sand.u32 $0x1, s3;
	[smem:$0x7FF] =	sst s2;
	s22 =	sshll.u32 s7, $0x8  }
0xa: {  	s3 =	sadd.s32 $0xF42C00, s0;
	s25 =	sshll.u32 s7, $0xB;
	s4 =	sshll.u32 s9, $0x7  }
0xb: {  	_ =	strace $0x80000047;
	s5 =	ssub.s32 $0x2, s9;
	s10 =	sshll.u32 s9, $0xA  }
0xc: {  	s4 =	sor.u32 s4, s22;
	s23 =	sshrl.u32 s5, $0x1;
	s22 =	simm.s32 $0x4  }
0xd: {  	s6 =	sshll.u32 s4, $0x3;
	s0 =	ssub.s32 s5, s23;
	s24 =	sshrl.u32 s4, $0x3  }
0xe: {  	s23 =	simm.s32 $0x10400;
	s4 =	sadd.s32 s8, s6;
	s5 =	sadd.s32 s1, s24  }
0xf: {  	s1 =	sadd.s32 s25, s8;
	s9 =	smax.u32 s0, $0x1;
	s25 =	simm.s32 $0x12400  }
0x10: {  	s0 =	simm.s32 $0x3;
	s6 =	sadd.s32 $0x20000, s4;
	s26 =	sadd.s32 s10, s1  }
0x11: {  	s7 =	sadd.s32 $0x600000, s4;
	s8 =	sadd.s32 $0x620000, s4;
	s10 =	sadd.s32 $0x40000, s26  }
.LBB2_1:
0x12: {  	s1 =	simm.s32 $0x1000  }
0x13: {  	[tilespmem:s2], [sflag:$0x5] =	stream.strided.gather [hbm4b:s5+s11], $0x6400, s1, s11, $0x38;
	[tilespmem:$0x16400] =	vst v63  }
0x14: {  	_ =	swait.ge [sflag:s13], $0x6400  }
0x15: {  	[sflag:s13] =	ssyncset.done $0x0  }
0x16: {  	[sflag:s13] =	ssyncadd.s32 $0xFFFF9C00  }
0x17: {  	[tilespmem:s14], [sflag:$0x1] =	stream.indirect.gather [hbm4b:s3+s11], $0x40, s2, s11, $0xb8;
	[tilespmem:$0x16400] =	vst v63  }
0x18: {  	_ = 	snop  }
0x19: {  	[tilespmem:s15], [sflag:$0x1] =	stream.indirect.gather [hbm4b:s3+s11], $0x40, s11, s11, $0xb8;
	[tilespmem:$0x16400] =	vst v63  }
0x1a: {  	s24 =	simm.s32 $0x100  }
0x1b: {  	[tilespmem:s17], [sflag:$0x1] =	stream.indirect.gather [hbm4b:s3+s11], $0x40, s24, s11, $0xb8;
	[tilespmem:$0x16400] =	vst v63  }
0x1c: {  	s26 =	simm.s32 $0x180  }
0x1d: {  	[tilespmem:s19], [sflag:$0x1] =	stream.indirect.gather [hbm4b:s3+s11], $0x40, s26, s11, $0xb8;
	[tilespmem:$0x16400] =	vst v63  }
0x1e: {  	s18 =	simm.s32 $0x200  }
0x1f: {  	[tilespmem:s21], [sflag:$0x2] =	stream.indirect.gather [hbm4b:s3+s11], $0x40, s18, s11, $0xb8;
	[tilespmem:$0x16400] =	vst v63  }
0x20: {  	s24 =	simm.s32 $0x280  }
0x21: {  	[tilespmem:s23], [sflag:$0x2] =	stream.indirect.gather [hbm4b:s3+s11], $0x40, s24, s11, $0xb8;
	[tilespmem:$0x16400] =	vst v63  }
0x22: {  	s26 =	simm.s32 $0x300  }
0x23: {  	[tilespmem:s25], [sflag:$0x2] =	stream.indirect.gather [hbm4b:s3+s11], $0x40, s26, s11, $0xb8;
	[tilespmem:$0x16400] =	vst v63  }
0x24: {  	s18 =	simm.s32 $0x380  }
0x25: {  	[tilespmem:s28], [sflag:$0x2] =	stream.indirect.gather [hbm4b:s3+s11], $0x40, s18, s11, $0xb8;
	[tilespmem:$0x16400] =	vst v63  }
0x26: {  	_ =	swait.ge [sflag:s29], $0x2000  }
0x27: {  	[sflag:s29] =	ssyncset.done $0x0  }
0x28: {  	[sflag:s29] =	ssyncadd.s32 $0xFFFFE000  }
0x29: {  	_ =	swait.ge [sflag:s29], $0x2000  }
0x2a: {  	[sflag:s29] =	ssyncset.done $0x0  }
0x2b: {  	[sflag:s29] =	ssyncadd.s32 $0xFFFFE000  }
0x2c: {  	_ =	swait.ge [sflag:s29], $0x2000  }
0x2d: {  	[sflag:s29] =	ssyncset.done $0x0  }
0x2e: {  	[sflag:s29] =	ssyncadd.s32 $0xFFFFE000  }
0x2f: {  	_ =	swait.ge [sflag:s29], $0x2000  }
0x30: {  	[sflag:s29] =	ssyncset.done $0x0  }
0x31: {  	[sflag:s29] =	ssyncadd.s32 $0xFFFFE000  }
0x32: {  	[hbm4b:s4+s30] =	stream.strided.scatter [tilespmem:s14], [sflag:$0x3], $0x8000, s31, s30, $0x38;
	[tilespmem:$0x16400] =	vst v63  }
0x33: {  	_ =	swait.ge [sflag:s0], $0x8000  }
0x34: {  	[sflag:s0] =	ssyncset.done $0x0  }
0x35: {  	s24 =	simm.s32 $0x400;
	[sflag:s0] =	ssyncadd.s32 $0xFFFF8000  }
0x36: {  	[tilespmem:s14], [sflag:$0x1] =	stream.indirect.gather [hbm4b:s3+s11], $0x40, s24, s11, $0xb8;
	[tilespmem:$0x16400] =	vst v63  }
0x37: {  	s26 =	simm.s32 $0x480  }
0x38: {  	[tilespmem:s15], [sflag:$0x1] =	stream.indirect.gather [hbm4b:s3+s11], $0x40, s26, s11, $0xb8;
	[tilespmem:$0x16400] =	vst v63  }
0x39: {  	s18 =	simm.s32 $0x500  }
0x3a: {  	[tilespmem:s17], [sflag:$0x1] =	stream.indirect.gather [hbm4b:s3+s11], $0x40, s18, s11, $0xb8;
	[tilespmem:$0x16400] =	vst v63  }
0x3b: {  	s24 =	simm.s32 $0x580  }
0x3c: {  	[tilespmem:s19], [sflag:$0x1] =	stream.indirect.gather [hbm4b:s3+s11], $0x40, s24, s11, $0xb8;
	[tilespmem:$0x16400] =	vst v63  }
0x3d: {  	_ =	swait.ge [sflag:s20], $0x2000  }
0x3e: {  	[sflag:s20] =	ssyncset.done $0x0  }
0x3f: {  	[sflag:s20] =	ssyncadd.s32 $0xFFFFE000  }
0x40: {  	_ =	swait.ge [sflag:s20], $0x2000  }
0x41: {  	[sflag:s20] =	ssyncset.done $0x0  }
0x42: {  	[sflag:s20] =	ssyncadd.s32 $0xFFFFE000  }
0x43: {  	_ =	swait.ge [sflag:s20], $0x2000  }
0x44: {  	[sflag:s20] =	ssyncset.done $0x0  }
0x45: {  	[sflag:s20] =	ssyncadd.s32 $0xFFFFE000  }
0x46: {  	_ =	swait.ge [sflag:s20], $0x2000  }
0x47: {  	[sflag:s20] =	ssyncset.done $0x0  }
0x48: {  	[sflag:s20] =	ssyncadd.s32 $0xFFFFE000  }
0x49: {  	[hbm4b:s6+s30] =	stream.strided.scatter [tilespmem:s21], [sflag:$0x4], $0x8000, s31, s30, $0x38;
	[tilespmem:$0x16400] =	vst v63  }
0x4a: {  	_ =	swait.ge [sflag:s22], $0x8000  }
0x4b: {  	[sflag:s22] =	ssyncset.done $0x0  }
0x4c: {  	s26 =	simm.s32 $0x600;
	[sflag:s22] =	ssyncadd.s32 $0xFFFF8000  }
0x4d: {  	[tilespmem:s21], [sflag:$0x2] =	stream.indirect.gather [hbm4b:s3+s11], $0x40, s26, s11, $0xb8;
	[tilespmem:$0x16400] =	vst v63  }
0x4e: {  	s18 =	simm.s32 $0x680  }
0x4f: {  	[tilespmem:s23], [sflag:$0x2] =	stream.indirect.gather [hbm4b:s3+s11], $0x40, s18, s11, $0xb8;
	[tilespmem:$0x16400] =	vst v63  }
0x50: {  	s24 =	simm.s32 $0x700  }
0x51: {  	[tilespmem:s25], [sflag:$0x2] =	stream.indirect.gather [hbm4b:s3+s11], $0x40, s24, s11, $0xb8;
	[tilespmem:$0x16400] =	vst v63  }
0x52: {  	_ = 	snop  }
0x53: {  	[tilespmem:s28], [sflag:$0x2] =	stream.indirect.gather [hbm4b:s3+s11], $0x40, s12, s11, $0xb8;
	[tilespmem:$0x16400] =	vst v63  }
0x54: {  	_ =	swait.ge [sflag:s29], $0x2000  }
0x55: {  	[sflag:s29] =	ssyncset.done $0x0  }
0x56: {  	[sflag:s29] =	ssyncadd.s32 $0xFFFFE000  }
0x57: {  	_ =	swait.ge [sflag:s29], $0x2000  }
0x58: {  	[sflag:s29] =	ssyncset.done $0x0  }
0x59: {  	[sflag:s29] =	ssyncadd.s32 $0xFFFFE000  }
0x5a: {  	_ =	swait.ge [sflag:s29], $0x2000  }
0x5b: {  	[sflag:s29] =	ssyncset.done $0x0  }
0x5c: {  	[sflag:s29] =	ssyncadd.s32 $0xFFFFE000  }
0x5d: {  	_ =	swait.ge [sflag:s29], $0x2000  }
0x5e: {  	[sflag:s29] =	ssyncset.done $0x0  }
0x5f: {  	[sflag:s29] =	ssyncadd.s32 $0xFFFFE000  }
0x60: {  	[hbm4b:s10+s30] =	stream.strided.scatter [tilespmem:s14], [sflag:$0x3], $0x8000, s31, s30, $0x38;
	[tilespmem:$0x16400] =	vst v63  }
0x61: {  	_ =	swait.ge [sflag:s0], $0x8000  }
0x62: {  	[sflag:s0] =	ssyncset.done $0x0  }
0x63: {  	s18 =	simm.s32 $0x800;
	[sflag:s0] =	ssyncadd.s32 $0xFFFF8000  }
0x64: {  	[tilespmem:s14], [sflag:$0x1] =	stream.indirect.gather [hbm4b:s3+s11], $0x40, s18, s11, $0xb8;
	[tilespmem:$0x16400] =	vst v63  }
0x65: {  	s26 =	simm.s32 $0x880  }
0x66: {  	[tilespmem:s15], [sflag:$0x1] =	stream.indirect.gather [hbm4b:s3+s11], $0x40, s26, s11, $0xb8;
	[tilespmem:$0x16400] =	vst v63  }
0x67: {  	s1 =	simm.s32 $0x900  }
0x68: {  	[tilespmem:s17], [sflag:$0x1] =	stream.indirect.gather [hbm4b:s3+s11], $0x40, s1, s11, $0xb8;
	[tilespmem:$0x16400] =	vst v63  }
0x69: {  	s24 =	simm.s32 $0x980  }
0x6a: {  	[tilespmem:s19], [sflag:$0x1] =	stream.indirect.gather [hbm4b:s3+s11], $0x40, s24, s11, $0xb8;
	[tilespmem:$0x16400] =	vst v63  }
0x6b: {  	_ =	swait.ge [sflag:s20], $0x2000  }
0x6c: {  	[sflag:s20] =	ssyncset.done $0x0  }
0x6d: {  	[sflag:s20] =	ssyncadd.s32 $0xFFFFE000  }
0x6e: {  	_ =	swait.ge [sflag:s20], $0x2000  }
0x6f: {  	[sflag:s20] =	ssyncset.done $0x0  }
0x70: {  	[sflag:s20] =	ssyncadd.s32 $0xFFFFE000  }
0x71: {  	_ =	swait.ge [sflag:s20], $0x2000  }
0x72: {  	[sflag:s20] =	ssyncset.done $0x0  }
0x73: {  	[sflag:s20] =	ssyncadd.s32 $0xFFFFE000  }
0x74: {  	_ =	swait.ge [sflag:s20], $0x2000  }
0x75: {  	[sflag:s20] =	ssyncset.done $0x0  }
0x76: {  	s26 =	sadd.s32 $0x20000, s10;
	[sflag:s20] =	ssyncadd.s32 $0xFFFFE000  }
0x77: {  	[hbm4b:s26+s30] =	stream.strided.scatter [tilespmem:s21], [sflag:$0x4], $0x8000, s31, s30, $0x38;
	[tilespmem:$0x16400] =	vst v63  }
0x78: {  	_ =	swait.ge [sflag:s22], $0x8000  }
0x79: {  	[sflag:s22] =	ssyncset.done $0x0  }
0x7a: {  	s1 =	simm.s32 $0xA00;
	[sflag:s22] =	ssyncadd.s32 $0xFFFF8000  }
0x7b: {  	[tilespmem:s21], [sflag:$0x2] =	stream.indirect.gather [hbm4b:s3+s11], $0x40, s1, s11, $0xb8;
	[tilespmem:$0x16400] =	vst v63  }
0x7c: {  	s24 =	simm.s32 $0xA80  }
0x7d: {  	[tilespmem:s23], [sflag:$0x2] =	stream.indirect.gather [hbm4b:s3+s11], $0x40, s24, s11, $0xb8;
	[tilespmem:$0x16400] =	vst v63  }
0x7e: {  	s26 =	simm.s32 $0xB00  }
0x7f: {  	[tilespmem:s25], [sflag:$0x2] =	stream.indirect.gather [hbm4b:s3+s11], $0x40, s26, s11, $0xb8;
	[tilespmem:$0x16400] =	vst v63  }
0x80: {  	s18 =	simm.s32 $0x1000;
	s24 =	sadd.s32 $0x40000, s10;
	s26 =	simm.s32 $0xB80  }
.LBB2_2:
0x81: {  	[tilespmem:s28], [sflag:$0x2] =	stream.indirect.gather [hbm4b:s3+s11], $0x40, s26, s11, $0xb8;
	[tilespmem:$0x16400] =	vst v63  }
0x82: {  	s26 =	smov.u32 s18  }
0x83: {  	p0 =	sne.s32 s18, $0x16000;
	s18 =	sadd.s32 $0x1000, s18;
	_ =	swait.ge [sflag:s29], $0x2000  }
0x84: {  	[sflag:s29] =	ssyncset.done $0x0  }
0x85: {  	[sflag:s29] =	ssyncadd.s32 $0xFFFFE000  }
0x86: {  	_ =	swait.ge [sflag:s29], $0x2000  }
0x87: {  	[sflag:s29] =	ssyncset.done $0x0  }
0x88: {  	[sflag:s29] =	ssyncadd.s32 $0xFFFFE000  }
0x89: {  	_ =	swait.ge [sflag:s29], $0x2000  }
0x8a: {  	[sflag:s29] =	ssyncset.done $0x0  }
0x8b: {  	[sflag:s29] =	ssyncadd.s32 $0xFFFFE000  }
0x8c: {  	_ =	swait.ge [sflag:s29], $0x2000  }
0x8d: {  	[sflag:s29] =	ssyncset.done $0x0  }
0x8e: {  	[sflag:s29] =	ssyncadd.s32 $0xFFFFE000  }
0x8f: {  	[hbm4b:s24+s30] =	stream.strided.scatter [tilespmem:s14], [sflag:$0x3], $0x8000, s31, s30, $0x38;
	[tilespmem:$0x16400] =	vst v63  }
0x90: {  	_ =	swait.ge [sflag:s0], $0x8000  }
0x91: {  	s26 =	sshra.s32 s26, $0x2;
	[sflag:s0] =	ssyncset.done $0x0  }
0x92: {  	s1 =	sadd.s32 $0x800, s26;
	[sflag:s0] =	ssyncadd.s32 $0xFFFF8000  }
0x93: {  	[tilespmem:s14], [sflag:$0x1] =	stream.indirect.gather [hbm4b:s3+s11], $0x40, s1, s11, $0xb8;
	[tilespmem:$0x16400] =	vst v63  }
0x94: {  	s1 =	sadd.s32 $0x880, s26  }
0x95: {  	[tilespmem:s15], [sflag:$0x1] =	stream.indirect.gather [hbm4b:s3+s11], $0x40, s1, s11, $0xb8;
	[tilespmem:$0x16400] =	vst v63  }
0x96: {  	s1 =	sadd.s32 $0x900, s26  }
0x97: {  	[tilespmem:s17], [sflag:$0x1] =	stream.indirect.gather [hbm4b:s3+s11], $0x40, s1, s11, $0xb8;
	[tilespmem:$0x16400] =	vst v63  }
0x98: {  	s1 =	sadd.s32 $0x980, s26  }
0x99: {  	[tilespmem:s19], [sflag:$0x1] =	stream.indirect.gather [hbm4b:s3+s11], $0x40, s1, s11, $0xb8;
	[tilespmem:$0x16400] =	vst v63  }
0x9a: {  	_ =	swait.ge [sflag:s20], $0x2000  }
0x9b: {  	[sflag:s20] =	ssyncset.done $0x0  }
0x9c: {  	[sflag:s20] =	ssyncadd.s32 $0xFFFFE000  }
0x9d: {  	_ =	swait.ge [sflag:s20], $0x2000  }
0x9e: {  	[sflag:s20] =	ssyncset.done $0x0  }
0x9f: {  	[sflag:s20] =	ssyncadd.s32 $0xFFFFE000  }
0xa0: {  	_ =	swait.ge [sflag:s20], $0x2000  }
0xa1: {  	[sflag:s20] =	ssyncset.done $0x0  }
0xa2: {  	[sflag:s20] =	ssyncadd.s32 $0xFFFFE000  }
0xa3: {  	_ =	swait.ge [sflag:s20], $0x2000  }
0xa4: {  	[sflag:s20] =	ssyncset.done $0x0  }
0xa5: {  	s1 =	sadd.s32 $0x20000, s24;
	[sflag:s20] =	ssyncadd.s32 $0xFFFFE000  }
0xa6: {  	[hbm4b:s1+s30] =	stream.strided.scatter [tilespmem:s21], [sflag:$0x4], $0x8000, s31, s30, $0x38;
	[tilespmem:$0x16400] =	vst v63  }
0xa7: {  	_ =	swait.ge [sflag:s22], $0x8000  }
0xa8: {  	[sflag:s22] =	ssyncset.done $0x0  }
0xa9: {  	s1 =	sadd.s32 $0xA00, s26;
	[sflag:s22] =	ssyncadd.s32 $0xFFFF8000  }
0xaa: {  	[tilespmem:s21], [sflag:$0x2] =	stream.indirect.gather [hbm4b:s3+s11], $0x40, s1, s11, $0xb8;
	[tilespmem:$0x16400] =	vst v63  }
.Ltmp0:
0xab: {  	s1 =	sadd.s32 $0xA80, s26;
	(pc) =	sbr.rel @p0 .LBB2_2-.Ltmp0, $4  }
0xac: {  	[tilespmem:s23], [sflag:$0x2] =	stream.indirect.gather [hbm4b:s3+s11], $0x40, s1, s11, $0xb8;
	[tilespmem:$0x16400] =	vst v63  }
0xad: {  	s1 =	sadd.s32 $0xB00, s26  }
0xae: {  	[tilespmem:s25], [sflag:$0x2] =	stream.indirect.gather [hbm4b:s3+s11], $0x40, s1, s11, $0xb8;
	[tilespmem:$0x16400] =	vst v63  }
0xaf: {  	s24 =	sadd.s32 $0x40000, s24;
	s26 =	sadd.s32 $0xB80, s26  }
0xb0: {  	[tilespmem:s28], [sflag:$0x2] =	stream.indirect.gather [hbm4b:s3+s11], $0x40, s26, s11, $0xb8;
	[tilespmem:$0x16400] =	vst v63  }
0xb1: {  	_ =	swait.ge [sflag:s29], $0x2000  }
0xb2: {  	[sflag:s29] =	ssyncset.done $0x0  }
0xb3: {  	[sflag:s29] =	ssyncadd.s32 $0xFFFFE000  }
0xb4: {  	_ =	swait.ge [sflag:s29], $0x2000  }
0xb5: {  	[sflag:s29] =	ssyncset.done $0x0  }
0xb6: {  	[sflag:s29] =	ssyncadd.s32 $0xFFFFE000  }
0xb7: {  	_ =	swait.ge [sflag:s29], $0x2000  }
0xb8: {  	[sflag:s29] =	ssyncset.done $0x0  }
0xb9: {  	[sflag:s29] =	ssyncadd.s32 $0xFFFFE000  }
0xba: {  	_ =	swait.ge [sflag:s29], $0x2000  }
0xbb: {  	[sflag:s29] =	ssyncset.done $0x0  }
0xbc: {  	[sflag:s29] =	ssyncadd.s32 $0xFFFFE000  }
0xbd: {  	[hbm4b:s7+s30] =	stream.strided.scatter [tilespmem:s14], [sflag:$0x3], $0x8000, s31, s30, $0x38;
	[tilespmem:$0x16400] =	vst v63  }
0xbe: {  	_ =	swait.ge [sflag:s20], $0x2000  }
0xbf: {  	[sflag:s20] =	ssyncset.done $0x0  }
0xc0: {  	[sflag:s20] =	ssyncadd.s32 $0xFFFFE000  }
0xc1: {  	_ =	swait.ge [sflag:s20], $0x2000  }
0xc2: {  	[sflag:s20] =	ssyncset.done $0x0  }
0xc3: {  	[sflag:s20] =	ssyncadd.s32 $0xFFFFE000  }
0xc4: {  	_ =	swait.ge [sflag:s20], $0x2000  }
0xc5: {  	[sflag:s20] =	ssyncset.done $0x0  }
0xc6: {  	[sflag:s20] =	ssyncadd.s32 $0xFFFFE000  }
0xc7: {  	_ =	swait.ge [sflag:s20], $0x2000  }
0xc8: {  	[sflag:s20] =	ssyncset.done $0x0  }
0xc9: {  	s16 =	sadd.s32 $0x1, s16;
	[sflag:s20] =	ssyncadd.s32 $0xFFFFE000  }
0xca: {  	[hbm4b:s8+s30] =	stream.strided.scatter [tilespmem:s21], [sflag:$0x4], $0x8000, s31, s30, $0x38;
	[tilespmem:$0x16400] =	vst v63  }
0xcb: {  	p0 =	sne.s32 s16, s9;
	_ =	swait.ge [sflag:s0], $0x8000  }
.Ltmp1:
0xcc: {  	[sflag:s0] =	ssyncset.done $0x0;
	(pc) =	sbr.rel @p0 .LBB2_1-.Ltmp1, $4  }
0xcd: {  	[sflag:s0] =	ssyncadd.s32 $0xFFFF8000  }
0xce: {  	_ =	swait.ge [sflag:s22], $0x8000  }
0xcf: {  	[sflag:s22] =	ssyncset.done $0x0  }
0xd0: {  	[sflag:s22] =	ssyncadd.s32 $0xFFFF8000  }
0xd1: {  	_ =	sfence.sel $0x180000  }
0xd2: {  	[bflag:$0x0] =	sbarrier.arrive $0xFFFF  }
0xd3: {  	_ =	strace $0x90000047  }
0xd4: {  	s0 =	stileid.u32;
	[bflag:$0x2] =	sbarrier.arrive $0xFFFF  }
0xd5: {  	p0 =	sne.s32 s0, $0x0;
	s0 =	rddreg [dreg:$0x3]  }
0xd6: {  	s0 =	sadd.s32 @!p0 $0x100000, s0  }
0xd7: {  	[sflag:s0] =	ssyncadd.tile.s32 @!p0 $0x1;
	_ =	shalt  }
.Lfunc_end2:
_tile_overlayer_lowered:
.L_overlay_start_2:
0xd8: {  	(tag) =	ssettag $0x2  }
0xd9: {  	s0 =	rddreg [dreg:$0x0];
	s2 =	stileid.u32  }
0xda: {  	s1 =	rddreg [dreg:$0x1];
	p0 =	sne.s32 s2, $0x0  }
0xdb: {  	s3 =	rddreg [dreg:$0x2];
	[bflag:$0x3] =	sbarrier.arrive $0xFFFF;
	s2 =	simm.s32 @!p0 $0x1C05  }
0xdc: {  	[timem:s3], [sflag:s2] =	dma.local @!p0 [hbm:s0], s1  }
0xdd: {  	s0 =	simm.s32 @!p0 $0x5  }
0xde: {  	_ =	swait.ge @!p0 [sflag:s0], s1  }
0xdf: {  	s1 =	ssub.s32 @!p0 $0x0, s1;
	[sflag:s0] =	ssyncset.done @!p0 $0x0  }
0xe0: {  	[sflag:s0] =	ssyncadd.s32 @!p0 s1  }
0xe1: {  	[bflag:$0x3] =	sbarrier.arrive $0xFFFF  }
0xe2: {  	_ =	shalt  }

// kernel: sparse-core-data-format-call.cloned.1.call-start
scs
called_computation_lowered:
.L_overlay_start_0:
0x0: {  	s2 =	sld [smem:$0x3FD9]  }
0x1: {  	s3 =	sld [smem:$0x3FFE];
	_ =	sdelay $0x1  }
0x2: {  	s1 =	srdreg.scid  }
0x3: {  	s0 =	sand.u32 $0x1, s1  }
0x4: {  	s18 =	sshll.u32 s0, $0xA;
	s2 =	sadd.s32 s3, s2  }
0x5: {  	s2 =	sadd.s32 s2, s18  }
0x6: {  	[smem:$0x3FC6] =	sst s2  }
0x7: {  	_ = 	snop  }
0x8: {  	s2 =	sld [smem:$0x3FD0];
	(tm) =	ssettm $0x1  }
0x9: {  	s19 =	sld [smem:$0x3FFB];
	_ =	sdelay $0x3  }
0xa: {  	_ =	strace s19  }
0xb: {  	s3 =	sld [smem:$0x3FFC];
	_ =	sdelay $0x3  }
0xc: {  	_ =	strace s3  }
0xd: {  	s3 =	sld [smem:$0x3FFD];
	_ =	sdelay $0x3  }
0xe: {  	_ =	strace s3  }
0xf: {  	_ =	strace $0x8FFFFFFF  }
0x10: {  	s20 =	sld [smem:$0x3FDB];
	_ =	sdelay $0x1  }
0x11: {  	s4 =	simm.s32 $_scs_section_size  }
0x12: {  	s5 =	simm.s32 $_size__tile_overlayer_lowered;
	s6 =	simm.s32 $_tile_overlayer_lowered  }
0x13: {  	s23 =	simm.s32 $0x1BFF;
	s22 =	sshll.u32 s6, $0x1;
	s3 =	sadd.s32 s4, s20  }
0x14: {  	s7 =	simm.s32 $0x0;
	s21 =	sshll.u32 s5, $0x1;
	s5 =	sadd.s32 s22, s3  }
0x15: {  	[timem:s7], [sflag:s23] =	dma.local [hbm:s5], s21  }
0x16: {  	_ =	swait.ge [sflag:s23], s21  }
0x17: {  	s4 =	ssub.s32 $0x0, s21;
	[sflag:s23] =	ssyncset.done $0x0  }
0x18: {  	[sflag:s23] =	ssyncadd.s32 s4;
	_ =	sdelay $0x1  }
0x19: {  	s24 =	simm.s32 $0x1B8B  }
0x1a: {  	_ =	swait.ge [sflag:s24], $0x1  }
0x1b: {  	[sflag:s24] =	ssyncset.done $0x0  }
0x1c: {  	s26 =	simm.s32 $0x1B8E;
	s25 =	sld [smem:$0x3FFE];
	[sflag:s24] =	ssyncadd.s32 $0xFFFFFFFF  }
0x1d: {  	s27 =	simm.s32 $execute0_lowered;
	[smem:$0x3FD2] =	sst s26  }
0x1e: {  	s5 =	sshll.u32 s27, $0x1;
	_ =	strace $0x80000049;
	[dreg:$0x1] =	wrdreg $0xFFFFFFFF  }
0x1f: {  	s28 =	simm.s32 $_size_execute0_lowered;
	s3 =	sadd.s32 s3, s5;
	[dreg:$0x0] =	wrdreg $0x0  }
0x20: {  	s5 =	sshll.u32 s28, $0x1;
	[dreg:$0x2] =	wrdreg s3  }
0x21: {  	[dreg:$0x3] =	wrdreg s5  }
0x22: {  	[dreg:$0x4] =	wrdreg $0xC0  }
0x23: {  	_ =	task [dreg:s7], $0x5FFFF  }
0x24: {  	[dreg:$0x1] =	wrdreg $0xFFFFFFFF  }
0x25: {  	[dreg:$0x0] =	wrdreg $0x60  }
0x26: {  	[dreg:$0x2] =	wrdreg s25  }
0x27: {  	[dreg:$0x3] =	wrdreg s2  }
0x28: {  	[dreg:$0x4] =	wrdreg $0x9  }
0x29: {  	_ =	task.clear_ibuf [dreg:s7], $0x5FFFF;
	_ =	strace $0x90000049  }
0x2a: {  	s29 =	simm.s32 $0x9;
	_ =	strace $0x8000004B  }
0x2b: {  	_ =	swait.ge [sflag:s29], $0x1  }
0x2c: {  	[sflag:s29] =	ssyncadd.s32 $0xFFFFFFFF  }
0x2d: {  	_ =	strace $0x9000004B  }
0x2e: {  	_ =	sfence  }
0x2f: {  	s30 =	sld [smem:$0x0];
	_ =	sdelay $0x2  }
0x30: {  	s31 =	sshll.u32 s1, $0xD;
	s1 =	sshrl.u32 s1, $0x2  }
0x31: {  	s3 =	sand.u32 $0x4000, s31;
	s1 =	sadd.s32 s1, s30  }
0x32: {  	s0 =	sor.u32 s3, s0;
	s1 =	sshll.u32 s1, $0x11  }
0x33: {  	s0 =	sor.u32 s1, s0  }
0x34: {  	s0 =	sadd.s32 $0x8F2B, s0  }
0x35: {  	[sflag:s0] =	ssyncadd.remote.s32 $0x1  }
0x36: {  	_ =	sfence.sel $0xFFFF  }
0x37: {  	[dreg:$0x0] =	wrdreg $0xFFFFFFFF;
	(pc) =	sbr.abs _section_cstart, $3  }
0x38: {  	[dreg:$0x1] =	wrdreg $0xFFFFFFFF  }
0x39: {  	_ =	task.clear_ibuf [dreg:s7], $0x2FFFF;
	_ =	strace $0x9FFFFFFF  }
0x3a: {  	(tm) =	ssettm $0x7FFFFFFF  }
0x3b: {  	_ =	shalt  }
tec
execute0_lowered:
.L_overlay_start_1:
0x0: {  	(tag) =	ssettag $0x1  }
0x1: {  	s0 =	srdreg.scid  }
0x2: {  	s1 =	sshll.u32 s0, $0x4  }
0x3: {  	s5 =	rddreg [dreg:$0x0];
	s0 =	stileid.u32;
	s1 =	sand.u32 $0x10, s1  }
0x4: {  	s3 =	rddreg [dreg:$0x1];
	s31 =	simm.s32 $0x2;
	s4 =	sor.u32 s0, s1  }
0x5: {  	s13 =	simm.s32 $0x0;
	s9 =	simm.s32 $0x400;
	s2 =	sshll.u32 s4, $0x7  }
0x6: {  	s10 =	simm.s32 $0x8000;
	s14 =	simm.s32 $0x0;
	s6 =	ssub.s32 $0x1000, s2  }
0x7: {  	s1 =	rddreg [dreg:$0x2];
	_ =	strace $0x8000004A;
	s7 =	sand.u32 $0xF80, s6  }
0x8: {  	s4 =	sshll.u32 s4, $0xB;
	p0 =	sne.s32 s7, $0x0;
	s7 =	simm.s32 $0x1  }
.Ltmp0:
0x9: {  	s6 =	sshrl.u32 s6, $0xC;
	s7 =	simm.s32 @!p0 $0x0;
	(pc) =	sbr.rel .LBB1_1-.Ltmp0, $4  }
0xa: {  	s8 =	sadd.s32 s4, s5;
	s4 =	simm.s32 $0x1;
	s30 =	sadd.s32 s7, s6  }
0xb: {  	s11 =	simm.s32 $0x0;
	[sflag:s4] =	ssyncpa.u1 $0x0;
	s5 =	smul.u32 $0x64, s30  }
0xc: {  	s12 =	simm.s32 $0x0;
	[sflag:s31] =	ssyncpa.u1 $0x0;
	p0 =	por $0x0, $0x0  }
0xd: {  	s6 =	sadd.s32 $0x800, s8;
	s7 =	sadd.s32 $0x10800, s8;
	s8 =	sor.u32 $0x1, s5  }
.LBB1_7:
0xe: {  	s15 =	sadd.s32 $0x2, s11  }
0xf: {  	p2 =	sgt.s32 s15, $0xC7  }
0x10: {  	s15 =	simm.s32 @p2 $0x0;
	p2 =	sne.s32 s12, s8  }
.Ltmp1:
0x11: {  	p1 =	slt.u32 s12, $0x2;
	(pc) =	sbr.rel @!p2 .LBB1_8-.Ltmp1, $4  }
0x12: {  	s13 =	simm.s32 @!p1 $0x2  }
0x13: {  	s16 =	sadd.s32 $0x1, s12;
	s14 =	smov.u32 s11;
	_ =	swait.ge @!p1 [sflag:s13], $0x4000  }
0x14: {  	p0 =	por !p0, !p0;
	s12 =	smov.u32 s16;
	[sflag:s13] =	ssyncset.done @!p1 $0x0  }
0x15: {  	s11 =	smov.u32 s15;
	[sflag:s13] =	ssyncadd.s32 @!p1 $0xFFFFC000;
	s13 =	smov.u32 s2  }
.LBB1_1:
0x16: {  	p1 =	sge.u32 s12, s5  }
0x17: {  	s15 =	sxor.u32 @!p1 $0xFFFFFFFF, s12  }
0x18: {  	s16 =	sshll.u32 @!p1 s11, $0x10;
	s18 =	simm.s32 @!p1 $0x40;
	s15 =	sshll.u32 @!p1 s15, $0xE  }
0x19: {  	s19 =	simm.s32 @!p1 $0x80;
	s17 =	sadd.s32 @!p1 s16, s6;
	s15 =	sand.u32 @!p1 $0x4000, s15  }
0x1a: {  	[tilespmem:s15], [sflag:$0x1] =	stream.strided.gather @!p1 [hbm4b:s17+s18], $0x2000, s19, s18, $0x38;
	[tilespmem:$0x10100] =	vst v63  }
0x1b: {  	s31 =	sadd.s32 $0xFFFFFFFF, s12;
	s16 =	sadd.s32 @!p1 s16, s7;
	s15 =	sor.u32 @!p1 $0x2000, s15  }
0x1c: {  	[tilespmem:s15], [sflag:$0x1] =	stream.strided.gather @!p1 [hbm4b:s16+s18], $0x2000, s19, s18, $0x38;
	[tilespmem:$0x10100] =	vst v63  }
0x1d: {  	p1 =	sge.u32 s31, s5  }
.Ltmp2:
0x1e: {  	_ = 	snop;
	(pc) =	sbr.rel @p1 .LBB1_7-.Ltmp2, $1  }
0x1f: {  	_ =	sdelay $0x3  }
0x20: {  	s15 =	simm.s32 $0x1;
	s17 =	sand.u32 $0x1, s12  }
0x21: {  	_ =	swait.ge [sflag:s4], $0x4000;
	s15 =	simm.s32 @!p0 $0x0;
	s17 =	smul.u32 $0x10200, s17  }
0x22: {  	p2 =	por $0x1, $0x1;
	[sflag:s4] =	ssyncset.done $0x0;
	s16 =	smul.u32 $0x10200, s15  }
0x23: {  	s18 =	sshll.u32 s15, $0x10;
	[sflag:s4] =	ssyncadd.s32 $0xFFFFC000;
	s30 =	sshrl.u32 s17, $0x2  }
0x24: {  	s31 =	sshrl.u32 s18, $0x2;
	s18 =	simm.s32 $0x0;
	s16 =	sshrl.u32 s16, $0x2  }
0x25: {  	s15 =	sor.u32 $0x8000, s30;
	s17 =	sadd.s32 $0x20, s31;
	s16 =	sor.u32 $0x8000, s16  }
.LBB1_3:
0x26: {  	s19 =	sshll.u32 s18, $0xD  }
0x27: {  	s19 =	sand.u32 $0x3FFFE000, s19  }
0x28: {  	s21 =	sadd.s32 s19, s17  }
0x29: {  	s31 =	smul.u32 $0x8100, s18;
	v3 =	vld [tilespmem:s21+$0x10]  }
0x2a: {  	v1 =	vld [tilespmem:s21+$0xFFFFFFF0]  }
0x2b: {  	s18 =	sshra.s32 s31, $0x2;
	v0 =	vld [tilespmem:s21+$0x0]  }
0x2c: {  	s18 =	sadd.s32 s18, s16;
	v2 =	vld [tilespmem:s21+$0xFFFFFFE0]  }
0x2d: {  	s19 =	sadd.s32 $0x0, s18  }
0x2e: {  	p1 =	por p2, p2;
	s20 =	simm.s32 $0x4;
	s21 =	sadd.s32 $0x40, s21;
	[tilespmem:s19+$0x1830 ss:$0x81] =	vst.msk $0xffff, v3  }
.LBB1_4:
0x2f: {  	v3 =	vld [tilespmem:s21+$0x10];
	p2 =	sne.s32 s20, $0x1FC;
	[tilespmem:s19+$0x810 ss:$0x81] =	vst.msk $0xffff, v1;
	s22 =	smov.u32 s20;
	s20 =	sadd.s32 $0x4, s20  }
.Ltmp3:
0x30: {  	v1 =	vld [tilespmem:s21+$0xFFFFFFF0];
	[tilespmem:s19+$0x1020 ss:$0x81] =	vst.msk $0xffff, v0;
	(pc) =	sbr.rel @p2 .LBB1_4-.Ltmp3, $4  }
0x31: {  	v0 =	vld [tilespmem:s21+$0x0];
	[tilespmem:s19+$0x0 ss:$0x81] =	vst.msk $0xffff, v2  }
0x32: {  	s19 =	sshra.s32 s22, $0x2;
	v2 =	vld [tilespmem:s21+$0xFFFFFFE0]  }
0x33: {  	s19 =	sadd.s32 s19, s18  }
0x34: {  	s21 =	sadd.s32 $0x40, s21;
	[tilespmem:s19+$0x1830 ss:$0x81] =	vst.msk $0xffff, v3  }
.Ltmp4:
0x35: {  	(pc) =	sbr.rel @p1 .LBB1_3-.Ltmp4, $4  }
0x36: {  	_ = 	snop  }
0x37: {  	[tilespmem:s19+$0x810 ss:$0x81] =	vst.msk $0xffff, v1  }
0x38: {  	[tilespmem:s19+$0x1020 ss:$0x81] =	vst.msk $0xffff, v0  }
0x39: {  	s18 =	simm.s32 $0x1;
	p2 =	por $0x0, $0x0;
	[tilespmem:s19+$0x0 ss:$0x81] =	vst.msk $0xffff, v2  }
.Ltmp5:
0x3a: {  	(pc) =	sbr.rel .LBB1_7-.Ltmp5, $4  }
0x3b: {  	s14 =	sshll.u32 s14, $0xF  }
0x3c: {  	s14 =	sadd.s32 s3, s14  }
0x3d: {  	s13 =	sadd.s32 s13, s14  }
0x3e: {  	[hbm4b:s13+s9] =	stream.strided.scatter [tilespmem:s15], [sflag:$0x2], $0x4000, s10, s9, $0x20;
	[tilespmem:$0x10100] =	vst v63  }
.LBB1_8:
0x3f: {  	_ =	sfence.sel $0x180000  }
0x40: {  	s2 =	simm.s32 $0x1;
	[bflag:$0x0] =	sbarrier.arrive $0xFFFF  }
0x41: {  	s31 =	simm.s32 $0x2;
	[sflag:s2] =	ssyncpa.u1 $0x1  }
0x42: {  	[sflag:s31] =	ssyncpa.u1 $0x1  }
0x43: {  	p0 =	sne.s32 s0, $0x0;
	_ =	strace $0x9000004A  }
0x44: {  	s0 =	sadd.s32 @!p0 $0x100000, s1;
	[bflag:$0x2] =	sbarrier.arrive $0xFFFF  }
0x45: {  	[sflag:s0] =	ssyncadd.tile.s32 @!p0 $0x1;
	_ =	shalt  }
.Lfunc_end1:
_tile_overlayer_lowered:
.L_overlay_start_2:
0x46: {  	(tag) =	ssettag $0x2  }
0x47: {  	s0 =	rddreg [dreg:$0x0];
	s2 =	stileid.u32  }
0x48: {  	s1 =	rddreg [dreg:$0x1];
	p0 =	sne.s32 s2, $0x0  }
0x49: {  	s3 =	rddreg [dreg:$0x2];
	[bflag:$0x3] =	sbarrier.arrive $0xFFFF;
	s2 =	simm.s32 @!p0 $0x1C01  }
0x4a: {  	[timem:s3], [sflag:s2] =	dma.local @!p0 [hbm:s0], s1  }
0x4b: {  	s0 =	simm.s32 @!p0 $0x1  }
0x4c: {  	_ =	swait.ge @!p0 [sflag:s0], s1  }
0x4d: {  	s1 =	ssub.s32 @!p0 $0x0, s1;
	[sflag:s0] =	ssyncset.done @!p0 $0x0  }
0x4e: {  	[sflag:s0] =	ssyncadd.s32 @!p0 s1  }
0x4f: {  	[bflag:$0x3] =	sbarrier.arrive $0xFFFF  }
0x50: {  	_ =	shalt  }

</sc_bundles>
